<compile_context>
chip_gen: v7x
topology: tpu7x:2x2x1
jax: 0.10.2.dev20260603
libtpu: 0.0.44.dev20260713+nightly
codegen_flags: <defaults>
</compile_context>

<pallas_src>
import functools

import jax
import jax.numpy as jnp
from jax import lax
from jax.experimental import pallas as pl
from jax.experimental.pallas import tpu as pltpu
from jax.experimental.pallas import tpu_sc as plsc

VOCAB = 100000
HIDDEN = 2048
BATCH = 4
SEQ = 2048
B = BATCH * SEQ

NUM_CORES = 2
NUM_SUBCORES = 16
NW = NUM_CORES * NUM_SUBCORES
BPW = B // NW
CHUNK = 16
NCHUNK = BPW // CHUNK
NBUF = 3
WPB = SEQ // BPW


def _emb_kernel(idx_hbm, table_hbm, out_hbm, idx_v, rows_v, gsem, ssem):
    wid = lax.axis_index("s") * NUM_CORES + lax.axis_index("c")
    b0 = wid // WPB
    col = (wid % WPB) * BPW
    pltpu.sync_copy(idx_hbm.at[b0, pl.ds(col, BPW)], idx_v)

    def issue_g(ch):
        return pltpu.async_copy(
            table_hbm.at[idx_v.at[pl.ds(ch * CHUNK, CHUNK)]],
            rows_v.at[ch % NBUF],
            gsem,
        )

    def issue_s(ch):
        return pltpu.async_copy(
            rows_v.at[ch % NBUF],
            out_hbm.at[b0, pl.ds(col + ch * CHUNK, CHUNK)],
            ssem,
        )

    g = {0: issue_g(0), 1: issue_g(1)}
    s = {}
    for ch in range(NCHUNK):
        g[ch].wait()
        s[ch] = issue_s(ch)
        nxt = ch + 2
        if nxt < NCHUNK:
            if nxt - NBUF >= 0:
                s[nxt - NBUF].wait()
            g[nxt] = issue_g(nxt)
    for j in range(max(0, NCHUNK - NBUF), NCHUNK):
        s[j].wait()


@jax.jit
def _emb(token_ids, table):
    mesh = plsc.VectorSubcoreMesh(core_axis_name="c", subcore_axis_name="s")
    f = functools.partial(
        pl.kernel,
        mesh=mesh,
        out_type=jax.ShapeDtypeStruct((BATCH, SEQ, HIDDEN), jnp.float32),
        scratch_types=[
            pltpu.VMEM((BPW,), jnp.int32),
            pltpu.VMEM((NBUF, CHUNK, HIDDEN), jnp.float32),
            pltpu.SemaphoreType.DMA,
            pltpu.SemaphoreType.DMA,
        ],
    )(_emb_kernel)
    return f(token_ids, table)


def kernel(token_ids, embed_weight):
    return _emb(token_ids.astype(jnp.int32), embed_weight)

# --- scband reference (transcript-rebuilt; emitter-appended) ---
"""Pipeline reference for scband-treuno-embedding-63213328663008 (READ-ONLY COPY).

The authoritative reference and input builder live on the scoring server;
editing this copy changes nothing except your own understanding.
"""

import jax, jax.numpy as jnp
import numpy as np

VOCAB = 100000
HIDDEN = 2048
BATCH = 4
SEQ = 2048

def setup_inputs(seed: int = 0) -> dict:
    key = jax.random.key(seed)
    k_ids, k_tab = jax.random.split(key)
    token_ids = jax.random.randint(k_ids, (BATCH, SEQ), 0, VOCAB, dtype=jnp.int64) if jax.config.jax_enable_x64 else jax.random.randint(k_ids, (BATCH, SEQ), 0, VOCAB, dtype=jnp.int32)
    embed_weight = jax.random.normal(k_tab, (VOCAB, HIDDEN), dtype=jnp.float32) * 0.02
    return {"token_ids": token_ids, "embed_weight": embed_weight}

def reference(token_ids, embed_weight):
    # TreunoEmbedding.forward: nn.Embedding lookup -> (batch, seq_len, hidden_size)
    return jnp.take(embed_weight, token_ids, axis=0)

if __name__ == "__main__":
    import jax
    _d = setup_inputs()
    print(jax.jit(kernel)(*tuple(_d.values())))

</pallas_src>

<mosaic_0001>
#map = affine_map<(d0, d1) -> (0, 0)>
#map1 = affine_map<(d0, d1) -> (0, 0, 0)>
module attributes {stable_mosaic.version = 14 : i64} {
  func.func @_emb_kernel(%arg0: i32, %arg1: i32, %arg2: memref<4x2048xi32, #tpu.memory_space<hbm>>, %arg3: memref<100000x2048xf32, #tpu.memory_space<hbm>>, %arg4: memref<4x2048x2048xf32, #tpu.memory_space<hbm>>, %arg5: memref<256xi32, #tpu.memory_space<vmem>>, %arg6: memref<3x16x2048xf32, #tpu.memory_space<vmem>>, %arg7: memref<!tpu.dma_semaphore, #tpu.memory_space<semaphore_mem>>, %arg8: memref<!tpu.dma_semaphore, #tpu.memory_space<semaphore_mem>>) attributes {dimension_semantics = [#tpu.dimension_semantics<core_parallel>, #tpu.dimension_semantics<subcore_parallel>], iteration_bounds = array<i64: 2, 16>, scalar_prefetch = 0 : i64, scratch_operands = 4 : i64, tpu.core_type = #tpu.core_type<sc_vector_subcore>, window_params = [{transform_indices = #map}, {transform_indices = #map}, {transform_indices = #map1}]} {
    %mul3A = arith.constant 2 : i32
    %mul3A_0 = arith.muli %arg1, %mul3A : i32
    %add3A = arith.addi %mul3A_0, %arg0 : i32
    %jit3A = arith.constant 8 : i32
    %div3A = arith.divsi %add3A, %jit3A : i32
    %sign3A = arith.constant 0 : i32
    %sign3A_1 = arith.cmpi sgt, %add3A, %sign3A : i32
    %sign3A_2 = arith.extui %sign3A_1 : i1 to i32
    %sign3A_3 = arith.constant 0 : i32
    %sign3A_4 = arith.cmpi slt, %add3A, %sign3A_3 : i32
    %sign3A_5 = arith.extui %sign3A_4 : i1 to i32
    %sign3A_6 = arith.subi %sign3A_2, %sign3A_5 : i32
    %sign3A_7 = arith.constant 0 : i32
    %sign3A_8 = arith.cmpi sgt, %jit3A, %sign3A_7 : i32
    %sign3A_9 = arith.extui %sign3A_8 : i1 to i32
    %sign3A_10 = arith.constant 0 : i32
    %sign3A_11 = arith.cmpi slt, %jit3A, %sign3A_10 : i32
    %sign3A_12 = arith.extui %sign3A_11 : i1 to i32
    %sign3A_13 = arith.subi %sign3A_9, %sign3A_12 : i32
    %ne3A = arith.cmpi ne, %sign3A_6, %sign3A_13 : i32
    %rem3A = arith.remsi %add3A, %jit3A : i32
    %ne3A_14 = arith.constant 0 : i32
    %ne3A_15 = arith.cmpi ne, %rem3A, %ne3A_14 : i32
    %and3A = arith.andi %ne3A, %ne3A_15 : i1
    %sub3A = arith.constant 1 : i32
    %sub3A_16 = arith.subi %div3A, %sub3A : i32
    %select_n3A = arith.select %and3A, %sub3A_16, %div3A : i32
    %jit3A_17 = arith.constant 8 : i32
    %eq3A = arith.constant 0 : i32
    %eq3A_18 = arith.cmpi eq, %jit3A_17, %eq3A : i32
    %jit3A_19 = arith.constant 1 : i32
    %select_n3A_20 = arith.select %eq3A_18, %jit3A_19, %jit3A_17 : i32
    %rem3A_21 = arith.remsi %add3A, %select_n3A_20 : i32
    %ne3A_22 = arith.constant 0 : i32
    %ne3A_23 = arith.cmpi ne, %rem3A_21, %ne3A_22 : i32
    %lt3A = arith.constant 0 : i32
    %lt3A_24 = arith.cmpi slt, %rem3A_21, %lt3A : i32
    %lt3A_25 = arith.constant 0 : i32
    %lt3A_26 = arith.cmpi slt, %select_n3A_20, %lt3A_25 : i32
    %ne3A_27 = arith.xori %lt3A_24, %lt3A_26 : i1
    %and3A_28 = arith.andi %ne3A_27, %ne3A_23 : i1
    %add3A_29 = arith.addi %rem3A_21, %select_n3A_20 : i32
    %select_n3A_30 = arith.select %and3A_28, %add3A_29, %rem3A_21 : i32
    %mul3A_31 = arith.constant 256 : i32
    %mul3A_32 = arith.muli %select_n3A_30, %mul3A_31 : i32
    "tpu.region"() ({
      %run_scoped3A = tpu.sem_alloc : memref<!tpu.dma_semaphore, #tpu.memory_space<semaphore_mem>>
      %dma_start3A_863 = tpu.memref_slice %arg2[%select_n3A, %mul3A_32] : memref<4x2048xi32, #tpu.memory_space<hbm>> -> memref<1x256xi32, #tpu.memory_space<hbm>>
      %dma_start3A_864 = tpu.memref_squeeze %dma_start3A_863 : memref<1x256xi32, #tpu.memory_space<hbm>> -> memref<256xi32, #tpu.memory_space<hbm>>
      %dma_start3A_865 = tpu.memref_slice %arg2[%select_n3A, %mul3A_32] : memref<4x2048xi32, #tpu.memory_space<hbm>> -> memref<1x256xi32, #tpu.memory_space<hbm>>
      %dma_start3A_866 = tpu.memref_squeeze %dma_start3A_865 : memref<1x256xi32, #tpu.memory_space<hbm>> -> memref<256xi32, #tpu.memory_space<hbm>>
      tpu.enqueue_dma source(%dma_start3A_866 : memref<256xi32, #tpu.memory_space<hbm>>) target(%arg5 : memref<256xi32, #tpu.memory_space<vmem>>) target_semaphore(%run_scoped3A : memref<!tpu.dma_semaphore, #tpu.memory_space<semaphore_mem>>)
      %dma_wait3A_867 = tpu.memref_slice %arg2[%select_n3A, %mul3A_32] : memref<4x2048xi32, #tpu.memory_space<hbm>> -> memref<1x256xi32, #tpu.memory_space<hbm>>
      %dma_wait3A_868 = tpu.memref_squeeze %dma_wait3A_867 : memref<1x256xi32, #tpu.memory_space<hbm>> -> memref<256xi32, #tpu.memory_space<hbm>>
      %dma_wait3A_869 = tpu.memref_slice %arg2[%select_n3A, %mul3A_32] : memref<4x2048xi32, #tpu.memory_space<hbm>> -> memref<1x256xi32, #tpu.memory_space<hbm>>
      %dma_wait3A_870 = tpu.memref_squeeze %dma_wait3A_869 : memref<1x256xi32, #tpu.memory_space<hbm>> -> memref<256xi32, #tpu.memory_space<hbm>>
      tpu.wait_dma2 semaphore(%run_scoped3A : memref<!tpu.dma_semaphore, #tpu.memory_space<semaphore_mem>>) src(%dma_wait3A_870 : memref<256xi32, #tpu.memory_space<hbm>>) dst(%arg5 : memref<256xi32, #tpu.memory_space<vmem>>)
      tpu.yield
    }) : () -> ()
    %dma_start3A = arith.constant 0 : i32
    %dma_start3A_33 = arith.constant 0 : i32
    %dma_start3A_34 = arith.constant 0 : i32
    %dma_start3A_35 = tpu.memref_slice %arg6[%dma_start3A, %dma_start3A_33, %dma_start3A_34] : memref<3x16x2048xf32, #tpu.memory_space<vmem>> -> memref<1x16x2048xf32, #tpu.memory_space<vmem>>
    %dma_start3A_36 = tpu.memref_squeeze %dma_start3A_35 : memref<1x16x2048xf32, #tpu.memory_space<vmem>> -> memref<16x2048xf32, #tpu.memory_space<vmem>>
    %dma_start3A_37 = arith.constant 0 : i32
    %dma_start3A_38 = tpu.memref_slice %arg5[%dma_start3A_37] : memref<256xi32, #tpu.memory_space<vmem>> -> memref<16xi32, #tpu.memory_space<vmem>>
    %dma_start3A_39 = arith.constant 0 : i32
    %dma_start3A_40 = arith.constant 0 : i32
    %dma_start3A_41 = tpu.memref_slice %arg3[%dma_start3A_39, %dma_start3A_40] : memref<100000x2048xf32, #tpu.memory_space<hbm>> -> memref<100000x2048xf32, #tpu.memory_space<hbm>>
    tpu.enqueue_indirect_dma source(%dma_start3A_41 : memref<100000x2048xf32, #tpu.memory_space<hbm>>) target(%dma_start3A_36 : memref<16x2048xf32, #tpu.memory_space<vmem>>) offsets(%dma_start3A_38 : memref<16xi32, #tpu.memory_space<vmem>>) semaphore(%arg7 : memref<!tpu.dma_semaphore, #tpu.memory_space<semaphore_mem>>)
    %dma_start3A_42 = arith.constant 1 : i32
    %dma_start3A_43 = arith.constant 0 : i32
    %dma_start3A_44 = arith.constant 0 : i32
    %dma_start3A_45 = tpu.memref_slice %arg6[%dma_start3A_42, %dma_start3A_43, %dma_start3A_44] : memref<3x16x2048xf32, #tpu.memory_space<vmem>> -> memref<1x16x2048xf32, #tpu.memory_space<vmem>>
    %dma_start3A_46 = tpu.memref_squeeze %dma_start3A_45 : memref<1x16x2048xf32, #tpu.memory_space<vmem>> -> memref<16x2048xf32, #tpu.memory_space<vmem>>
    %dma_start3A_47 = arith.constant 16 : i32
    %dma_start3A_48 = tpu.memref_slice %arg5[%dma_start3A_47] : memref<256xi32, #tpu.memory_space<vmem>> -> memref<16xi32, #tpu.memory_space<vmem>>
    %dma_start3A_49 = arith.constant 0 : i32
    %dma_start3A_50 = arith.constant 0 : i32
    %dma_start3A_51 = tpu.memref_slice %arg3[%dma_start3A_49, %dma_start3A_50] : memref<100000x2048xf32, #tpu.memory_space<hbm>> -> memref<100000x2048xf32, #tpu.memory_space<hbm>>
    tpu.enqueue_indirect_dma source(%dma_start3A_51 : memref<100000x2048xf32, #tpu.memory_space<hbm>>) target(%dma_start3A_46 : memref<16x2048xf32, #tpu.memory_space<vmem>>) offsets(%dma_start3A_48 : memref<16xi32, #tpu.memory_space<vmem>>) semaphore(%arg7 : memref<!tpu.dma_semaphore, #tpu.memory_space<semaphore_mem>>)
    %dma_wait3A = arith.constant 0 : i32
    %dma_wait3A_52 = arith.constant 0 : i32
    %dma_wait3A_53 = arith.constant 0 : i32
    %dma_wait3A_54 = tpu.memref_slice %arg6[%dma_wait3A, %dma_wait3A_52, %dma_wait3A_53] : memref<3x16x2048xf32, #tpu.memory_space<vmem>> -> memref<1x16x2048xf32, #tpu.memory_space<vmem>>
    %dma_wait3A_55 = tpu.memref_squeeze %dma_wait3A_54 : memref<1x16x2048xf32, #tpu.memory_space<vmem>> -> memref<16x2048xf32, #tpu.memory_space<vmem>>
    %dma_wait3A_56 = arith.constant 0 : i32
    %dma_wait3A_57 = tpu.memref_slice %arg5[%dma_wait3A_56] : memref<256xi32, #tpu.memory_space<vmem>> -> memref<16xi32, #tpu.memory_space<vmem>>
    %dma_wait3A_58 = arith.constant 0 : i32
    %dma_wait3A_59 = arith.constant 0 : i32
    %dma_wait3A_60 = tpu.memref_slice %arg3[%dma_wait3A_58, %dma_wait3A_59] : memref<100000x2048xf32, #tpu.memory_space<hbm>> -> memref<100000x2048xf32, #tpu.memory_space<hbm>>
    tpu.wait_indirect_dma semaphore(%arg7 : memref<!tpu.dma_semaphore, #tpu.memory_space<semaphore_mem>>) src(%dma_wait3A_60 : memref<100000x2048xf32, #tpu.memory_space<hbm>>) dst(%dma_wait3A_55 : memref<16x2048xf32, #tpu.memory_space<vmem>>)
    %add3A_61 = arith.constant 0 : i32
    %add3A_62 = arith.addi %mul3A_32, %add3A_61 : i32
    %dma_start3A_63 = arith.constant 0 : i32
    %dma_start3A_64 = arith.constant 0 : i32
    %dma_start3A_65 = arith.constant 0 : i32
    %dma_start3A_66 = tpu.memref_slice %arg6[%dma_start3A_63, %dma_start3A_64, %dma_start3A_65] : memref<3x16x2048xf32, #tpu.memory_space<vmem>> -> memref<1x16x2048xf32, #tpu.memory_space<vmem>>
    %dma_start3A_67 = tpu.memref_squeeze %dma_start3A_66 : memref<1x16x2048xf32, #tpu.memory_space<vmem>> -> memref<16x2048xf32, #tpu.memory_space<vmem>>
    %dma_start3A_68 = arith.constant 0 : i32
    %dma_start3A_69 = tpu.memref_slice %arg4[%select_n3A, %add3A_62, %dma_start3A_68] : memref<4x2048x2048xf32, #tpu.memory_space<hbm>> -> memref<1x16x2048xf32, #tpu.memory_space<hbm>>
    %dma_start3A_70 = tpu.memref_squeeze %dma_start3A_69 : memref<1x16x2048xf32, #tpu.memory_space<hbm>> -> memref<16x2048xf32, #tpu.memory_space<hbm>>
    %dma_start3A_71 = arith.constant 0 : i32
    %dma_start3A_72 = tpu.memref_slice %arg4[%select_n3A, %add3A_62, %dma_start3A_71] : memref<4x2048x2048xf32, #tpu.memory_space<hbm>> -> memref<1x16x2048xf32, #tpu.memory_space<hbm>>
    %dma_start3A_73 = tpu.memref_squeeze %dma_start3A_72 : memref<1x16x2048xf32, #tpu.memory_space<hbm>> -> memref<16x2048xf32, #tpu.memory_space<hbm>>
    %dma_start3A_74 = arith.constant 0 : i32
    %dma_start3A_75 = arith.constant 0 : i32
    %dma_start3A_76 = tpu.memref_slice %arg6[%dma_start3A_63, %dma_start3A_74, %dma_start3A_75] : memref<3x16x2048xf32, #tpu.memory_space<vmem>> -> memref<1x16x2048xf32, #tpu.memory_space<vmem>>
    %dma_start3A_77 = tpu.memref_squeeze %dma_start3A_76 : memref<1x16x2048xf32, #tpu.memory_space<vmem>> -> memref<16x2048xf32, #tpu.memory_space<vmem>>
    tpu.enqueue_dma source(%dma_start3A_77 : memref<16x2048xf32, #tpu.memory_space<vmem>>) target(%dma_start3A_73 : memref<16x2048xf32, #tpu.memory_space<hbm>>) target_semaphore(%arg8 : memref<!tpu.dma_semaphore, #tpu.memory_space<semaphore_mem>>)
    %dma_start3A_78 = arith.constant 2 : i32
    %dma_start3A_79 = arith.constant 0 : i32
    %dma_start3A_80 = arith.constant 0 : i32
    %dma_start3A_81 = tpu.memref_slice %arg6[%dma_start3A_78, %dma_start3A_79, %dma_start3A_80] : memref<3x16x2048xf32, #tpu.memory_space<vmem>> -> memref<1x16x2048xf32, #tpu.memory_space<vmem>>
    %dma_start3A_82 = tpu.memref_squeeze %dma_start3A_81 : memref<1x16x2048xf32, #tpu.memory_space<vmem>> -> memref<16x2048xf32, #tpu.memory_space<vmem>>
    %dma_start3A_83 = arith.constant 32 : i32
    %dma_start3A_84 = tpu.memref_slice %arg5[%dma_start3A_83] : memref<256xi32, #tpu.memory_space<vmem>> -> memref<16xi32, #tpu.memory_space<vmem>>
    %dma_start3A_85 = arith.constant 0 : i32
    %dma_start3A_86 = arith.constant 0 : i32
    %dma_start3A_87 = tpu.memref_slice %arg3[%dma_start3A_85, %dma_start3A_86] : memref<100000x2048xf32, #tpu.memory_space<hbm>> -> memref<100000x2048xf32, #tpu.memory_space<hbm>>
    tpu.enqueue_indirect_dma source(%dma_start3A_87 : memref<100000x2048xf32, #tpu.memory_space<hbm>>) target(%dma_start3A_82 : memref<16x2048xf32, #tpu.memory_space<vmem>>) offsets(%dma_start3A_84 : memref<16xi32, #tpu.memory_space<vmem>>) semaphore(%arg7 : memref<!tpu.dma_semaphore, #tpu.memory_space<semaphore_mem>>)
    %dma_wait3A_88 = arith.constant 1 : i32
    %dma_wait3A_89 = arith.constant 0 : i32
    %dma_wait3A_90 = arith.constant 0 : i32
    %dma_wait3A_91 = tpu.memref_slice %arg6[%dma_wait3A_88, %dma_wait3A_89, %dma_wait3A_90] : memref<3x16x2048xf32, #tpu.memory_space<vmem>> -> memref<1x16x2048xf32, #tpu.memory_space<vmem>>
    %dma_wait3A_92 = tpu.memref_squeeze %dma_wait3A_91 : memref<1x16x2048xf32, #tpu.memory_space<vmem>> -> memref<16x2048xf32, #tpu.memory_space<vmem>>
    %dma_wait3A_93 = arith.constant 16 : i32
    %dma_wait3A_94 = tpu.memref_slice %arg5[%dma_wait3A_93] : memref<256xi32, #tpu.memory_space<vmem>> -> memref<16xi32, #tpu.memory_space<vmem>>
    %dma_wait3A_95 = arith.constant 0 : i32
    %dma_wait3A_96 = arith.constant 0 : i32
    %dma_wait3A_97 = tpu.memref_slice %arg3[%dma_wait3A_95, %dma_wait3A_96] : memref<100000x2048xf32, #tpu.memory_space<hbm>> -> memref<100000x2048xf32, #tpu.memory_space<hbm>>
    tpu.wait_indirect_dma semaphore(%arg7 : memref<!tpu.dma_semaphore, #tpu.memory_space<semaphore_mem>>) src(%dma_wait3A_97 : memref<100000x2048xf32, #tpu.memory_space<hbm>>) dst(%dma_wait3A_92 : memref<16x2048xf32, #tpu.memory_space<vmem>>)
    %add3A_98 = arith.constant 16 : i32
    %add3A_99 = arith.addi %mul3A_32, %add3A_98 : i32
    %dma_start3A_100 = arith.constant 1 : i32
    %dma_start3A_101 = arith.constant 0 : i32
    %dma_start3A_102 = arith.constant 0 : i32
    %dma_start3A_103 = tpu.memref_slice %arg6[%dma_start3A_100, %dma_start3A_101, %dma_start3A_102] : memref<3x16x2048xf32, #tpu.memory_space<vmem>> -> memref<1x16x2048xf32, #tpu.memory_space<vmem>>
    %dma_start3A_104 = tpu.memref_squeeze %dma_start3A_103 : memref<1x16x2048xf32, #tpu.memory_space<vmem>> -> memref<16x2048xf32, #tpu.memory_space<vmem>>
    %dma_start3A_105 = arith.constant 0 : i32
    %dma_start3A_106 = tpu.memref_slice %arg4[%select_n3A, %add3A_99, %dma_start3A_105] : memref<4x2048x2048xf32, #tpu.memory_space<hbm>> -> memref<1x16x2048xf32, #tpu.memory_space<hbm>>
    %dma_start3A_107 = tpu.memref_squeeze %dma_start3A_106 : memref<1x16x2048xf32, #tpu.memory_space<hbm>> -> memref<16x2048xf32, #tpu.memory_space<hbm>>
    %dma_start3A_108 = arith.constant 0 : i32
    %dma_start3A_109 = tpu.memref_slice %arg4[%select_n3A, %add3A_99, %dma_start3A_108] : memref<4x2048x2048xf32, #tpu.memory_space<hbm>> -> memref<1x16x2048xf32, #tpu.memory_space<hbm>>
    %dma_start3A_110 = tpu.memref_squeeze %dma_start3A_109 : memref<1x16x2048xf32, #tpu.memory_space<hbm>> -> memref<16x2048xf32, #tpu.memory_space<hbm>>
    %dma_start3A_111 = arith.constant 0 : i32
    %dma_start3A_112 = arith.constant 0 : i32
    %dma_start3A_113 = tpu.memref_slice %arg6[%dma_start3A_100, %dma_start3A_111, %dma_start3A_112] : memref<3x16x2048xf32, #tpu.memory_space<vmem>> -> memref<1x16x2048xf32, #tpu.memory_space<vmem>>
    %dma_start3A_114 = tpu.memref_squeeze %dma_start3A_113 : memref<1x16x2048xf32, #tpu.memory_space<vmem>> -> memref<16x2048xf32, #tpu.memory_space<vmem>>
    tpu.enqueue_dma source(%dma_start3A_114 : memref<16x2048xf32, #tpu.memory_space<vmem>>) target(%dma_start3A_110 : memref<16x2048xf32, #tpu.memory_space<hbm>>) target_semaphore(%arg8 : memref<!tpu.dma_semaphore, #tpu.memory_space<semaphore_mem>>)
    %dma_wait3A_115 = arith.constant 0 : i32
    %dma_wait3A_116 = arith.constant 0 : i32
    %dma_wait3A_117 = arith.constant 0 : i32
    %dma_wait3A_118 = tpu.memref_slice %arg6[%dma_wait3A_115, %dma_wait3A_116, %dma_wait3A_117] : memref<3x16x2048xf32, #tpu.memory_space<vmem>> -> memref<1x16x2048xf32, #tpu.memory_space<vmem>>
    %dma_wait3A_119 = tpu.memref_squeeze %dma_wait3A_118 : memref<1x16x2048xf32, #tpu.memory_space<vmem>> -> memref<16x2048xf32, #tpu.memory_space<vmem>>
    %dma_wait3A_120 = arith.constant 0 : i32
    %dma_wait3A_121 = tpu.memref_slice %arg4[%select_n3A, %add3A_62, %dma_wait3A_120] : memref<4x2048x2048xf32, #tpu.memory_space<hbm>> -> memref<1x16x2048xf32, #tpu.memory_space<hbm>>
    %dma_wait3A_122 = tpu.memref_squeeze %dma_wait3A_121 : memref<1x16x2048xf32, #tpu.memory_space<hbm>> -> memref<16x2048xf32, #tpu.memory_space<hbm>>
    %dma_wait3A_123 = arith.constant 0 : i32
    %dma_wait3A_124 = tpu.memref_slice %arg4[%select_n3A, %add3A_62, %dma_wait3A_123] : memref<4x2048x2048xf32, #tpu.memory_space<hbm>> -> memref<1x16x2048xf32, #tpu.memory_space<hbm>>
    %dma_wait3A_125 = tpu.memref_squeeze %dma_wait3A_124 : memref<1x16x2048xf32, #tpu.memory_space<hbm>> -> memref<16x2048xf32, #tpu.memory_space<hbm>>
    %dma_wait3A_126 = arith.constant 0 : i32
    %dma_wait3A_127 = arith.constant 0 : i32
    %dma_wait3A_128 = tpu.memref_slice %arg6[%dma_wait3A_115, %dma_wait3A_126, %dma_wait3A_127] : memref<3x16x2048xf32, #tpu.memory_space<vmem>> -> memref<1x16x2048xf32, #tpu.memory_space<vmem>>
    %dma_wait3A_129 = tpu.memref_squeeze %dma_wait3A_128 : memref<1x16x2048xf32, #tpu.memory_space<vmem>> -> memref<16x2048xf32, #tpu.memory_space<vmem>>
    tpu.wait_dma2 semaphore(%arg8 : memref<!tpu.dma_semaphore, #tpu.memory_space<semaphore_mem>>) src(%dma_wait3A_129 : memref<16x2048xf32, #tpu.memory_space<vmem>>) dst(%dma_wait3A_125 : memref<16x2048xf32, #tpu.memory_space<hbm>>)
    %dma_start3A_130 = arith.constant 0 : i32
    %dma_start3A_131 = arith.constant 0 : i32
    %dma_start3A_132 = arith.constant 0 : i32
    %dma_start3A_133 = tpu.memref_slice %arg6[%dma_start3A_130, %dma_start3A_131, %dma_start3A_132] : memref<3x16x2048xf32, #tpu.memory_space<vmem>> -> memref<1x16x2048xf32, #tpu.memory_space<vmem>>
    %dma_start3A_134 = tpu.memref_squeeze %dma_start3A_133 : memref<1x16x2048xf32, #tpu.memory_space<vmem>> -> memref<16x2048xf32, #tpu.memory_space<vmem>>
    %dma_start3A_135 = arith.constant 48 : i32
    %dma_start3A_136 = tpu.memref_slice %arg5[%dma_start3A_135] : memref<256xi32, #tpu.memory_space<vmem>> -> memref<16xi32, #tpu.memory_space<vmem>>
    %dma_start3A_137 = arith.constant 0 : i32
    %dma_start3A_138 = arith.constant 0 : i32
    %dma_start3A_139 = tpu.memref_slice %arg3[%dma_start3A_137, %dma_start3A_138] : memref<100000x2048xf32, #tpu.memory_space<hbm>> -> memref<100000x2048xf32, #tpu.memory_space<hbm>>
    tpu.enqueue_indirect_dma source(%dma_start3A_139 : memref<100000x2048xf32, #tpu.memory_space<hbm>>) target(%dma_start3A_134 : memref<16x2048xf32, #tpu.memory_space<vmem>>) offsets(%dma_start3A_136 : memref<16xi32, #tpu.memory_space<vmem>>) semaphore(%arg7 : memref<!tpu.dma_semaphore, #tpu.memory_space<semaphore_mem>>)
    %dma_wait3A_140 = arith.constant 2 : i32
    %dma_wait3A_141 = arith.constant 0 : i32
    %dma_wait3A_142 = arith.constant 0 : i32
    %dma_wait3A_143 = tpu.memref_slice %arg6[%dma_wait3A_140, %dma_wait3A_141, %dma_wait3A_142] : memref<3x16x2048xf32, #tpu.memory_space<vmem>> -> memref<1x16x2048xf32, #tpu.memory_space<vmem>>
    %dma_wait3A_144 = tpu.memref_squeeze %dma_wait3A_143 : memref<1x16x2048xf32, #tpu.memory_space<vmem>> -> memref<16x2048xf32, #tpu.memory_space<vmem>>
    %dma_wait3A_145 = arith.constant 32 : i32
    %dma_wait3A_146 = tpu.memref_slice %arg5[%dma_wait3A_145] : memref<256xi32, #tpu.memory_space<vmem>> -> memref<16xi32, #tpu.memory_space<vmem>>
    %dma_wait3A_147 = arith.constant 0 : i32
    %dma_wait3A_148 = arith.constant 0 : i32
    %dma_wait3A_149 = tpu.memref_slice %arg3[%dma_wait3A_147, %dma_wait3A_148] : memref<100000x2048xf32, #tpu.memory_space<hbm>> -> memref<100000x2048xf32, #tpu.memory_space<hbm>>
    tpu.wait_indirect_dma semaphore(%arg7 : memref<!tpu.dma_semaphore, #tpu.memory_space<semaphore_mem>>) src(%dma_wait3A_149 : memref<100000x2048xf32, #tpu.memory_space<hbm>>) dst(%dma_wait3A_144 : memref<16x2048xf32, #tpu.memory_space<vmem>>)
    %add3A_150 = arith.constant 32 : i32
    %add3A_151 = arith.addi %mul3A_32, %add3A_150 : i32
    %dma_start3A_152 = arith.constant 2 : i32
    %dma_start3A_153 = arith.constant 0 : i32
    %dma_start3A_154 = arith.constant 0 : i32
    %dma_start3A_155 = tpu.memref_slice %arg6[%dma_start3A_152, %dma_start3A_153, %dma_start3A_154] : memref<3x16x2048xf32, #tpu.memory_space<vmem>> -> memref<1x16x2048xf32, #tpu.memory_space<vmem>>
    %dma_start3A_156 = tpu.memref_squeeze %dma_start3A_155 : memref<1x16x2048xf32, #tpu.memory_space<vmem>> -> memref<16x2048xf32, #tpu.memory_space<vmem>>
    %dma_start3A_157 = arith.constant 0 : i32
    %dma_start3A_158 = tpu.memref_slice %arg4[%select_n3A, %add3A_151, %dma_start3A_157] : memref<4x2048x2048xf32, #tpu.memory_space<hbm>> -> memref<1x16x2048xf32, #tpu.memory_space<hbm>>
    %dma_start3A_159 = tpu.memref_squeeze %dma_start3A_158 : memref<1x16x2048xf32, #tpu.memory_space<hbm>> -> memref<16x2048xf32, #tpu.memory_space<hbm>>
    %dma_start3A_160 = arith.constant 0 : i32
    %dma_start3A_161 = tpu.memref_slice %arg4[%select_n3A, %add3A_151, %dma_start3A_160] : memref<4x2048x2048xf32, #tpu.memory_space<hbm>> -> memref<1x16x2048xf32, #tpu.memory_space<hbm>>
    %dma_start3A_162 = tpu.memref_squeeze %dma_start3A_161 : memref<1x16x2048xf32, #tpu.memory_space<hbm>> -> memref<16x2048xf32, #tpu.memory_space<hbm>>
    %dma_start3A_163 = arith.constant 0 : i32
    %dma_start3A_164 = arith.constant 0 : i32
    %dma_start3A_165 = tpu.memref_slice %arg6[%dma_start3A_152, %dma_start3A_163, %dma_start3A_164] : memref<3x16x2048xf32, #tpu.memory_space<vmem>> -> memref<1x16x2048xf32, #tpu.memory_space<vmem>>
    %dma_start3A_166 = tpu.memref_squeeze %dma_start3A_165 : memref<1x16x2048xf32, #tpu.memory_space<vmem>> -> memref<16x2048xf32, #tpu.memory_space<vmem>>
    tpu.enqueue_dma source(%dma_start3A_166 : memref<16x2048xf32, #tpu.memory_space<vmem>>) target(%dma_start3A_162 : memref<16x2048xf32, #tpu.memory_space<hbm>>) target_semaphore(%arg8 : memref<!tpu.dma_semaphore, #tpu.memory_space<semaphore_mem>>)
    %dma_wait3A_167 = arith.constant 1 : i32
    %dma_wait3A_168 = arith.constant 0 : i32
    %dma_wait3A_169 = arith.constant 0 : i32
    %dma_wait3A_170 = tpu.memref_slice %arg6[%dma_wait3A_167, %dma_wait3A_168, %dma_wait3A_169] : memref<3x16x2048xf32, #tpu.memory_space<vmem>> -> memref<1x16x2048xf32, #tpu.memory_space<vmem>>
    %dma_wait3A_171 = tpu.memref_squeeze %dma_wait3A_170 : memref<1x16x2048xf32, #tpu.memory_space<vmem>> -> memref<16x2048xf32, #tpu.memory_space<vmem>>
    %dma_wait3A_172 = arith.constant 0 : i32
    %dma_wait3A_173 = tpu.memref_slice %arg4[%select_n3A, %add3A_99, %dma_wait3A_172] : memref<4x2048x2048xf32, #tpu.memory_space<hbm>> -> memref<1x16x2048xf32, #tpu.memory_space<hbm>>
    %dma_wait3A_174 = tpu.memref_squeeze %dma_wait3A_173 : memref<1x16x2048xf32, #tpu.memory_space<hbm>> -> memref<16x2048xf32, #tpu.memory_space<hbm>>
    %dma_wait3A_175 = arith.constant 0 : i32
    %dma_wait3A_176 = tpu.memref_slice %arg4[%select_n3A, %add3A_99, %dma_wait3A_175] : memref<4x2048x2048xf32, #tpu.memory_space<hbm>> -> memref<1x16x2048xf32, #tpu.memory_space<hbm>>
    %dma_wait3A_177 = tpu.memref_squeeze %dma_wait3A_176 : memref<1x16x2048xf32, #tpu.memory_space<hbm>> -> memref<16x2048xf32, #tpu.memory_space<hbm>>
    %dma_wait3A_178 = arith.constant 0 : i32
    %dma_wait3A_179 = arith.constant 0 : i32
    %dma_wait3A_180 = tpu.memref_slice %arg6[%dma_wait3A_167, %dma_wait3A_178, %dma_wait3A_179] : memref<3x16x2048xf32, #tpu.memory_space<vmem>> -> memref<1x16x2048xf32, #tpu.memory_space<vmem>>
    %dma_wait3A_181 = tpu.memref_squeeze %dma_wait3A_180 : memref<1x16x2048xf32, #tpu.memory_space<vmem>> -> memref<16x2048xf32, #tpu.memory_space<vmem>>
    tpu.wait_dma2 semaphore(%arg8 : memref<!tpu.dma_semaphore, #tpu.memory_space<semaphore_mem>>) src(%dma_wait3A_181 : memref<16x2048xf32, #tpu.memory_space<vmem>>) dst(%dma_wait3A_177 : memref<16x2048xf32, #tpu.memory_space<hbm>>)
    %dma_start3A_182 = arith.constant 1 : i32
    %dma_start3A_183 = arith.constant 0 : i32
    %dma_start3A_184 = arith.constant 0 : i32
    %dma_start3A_185 = tpu.memref_slice %arg6[%dma_start3A_182, %dma_start3A_183, %dma_start3A_184] : memref<3x16x2048xf32, #tpu.memory_space<vmem>> -> memref<1x16x2048xf32, #tpu.memory_space<vmem>>
    %dma_start3A_186 = tpu.memref_squeeze %dma_start3A_185 : memref<1x16x2048xf32, #tpu.memory_space<vmem>> -> memref<16x2048xf32, #tpu.memory_space<vmem>>
    %dma_start3A_187 = arith.constant 64 : i32
    %dma_start3A_188 = tpu.memref_slice %arg5[%dma_start3A_187] : memref<256xi32, #tpu.memory_space<vmem>> -> memref<16xi32, #tpu.memory_space<vmem>>
    %dma_start3A_189 = arith.constant 0 : i32
    %dma_start3A_190 = arith.constant 0 : i32
    %dma_start3A_191 = tpu.memref_slice %arg3[%dma_start3A_189, %dma_start3A_190] : memref<100000x2048xf32, #tpu.memory_space<hbm>> -> memref<100000x2048xf32, #tpu.memory_space<hbm>>
    tpu.enqueue_indirect_dma source(%dma_start3A_191 : memref<100000x2048xf32, #tpu.memory_space<hbm>>) target(%dma_start3A_186 : memref<16x2048xf32, #tpu.memory_space<vmem>>) offsets(%dma_start3A_188 : memref<16xi32, #tpu.memory_space<vmem>>) semaphore(%arg7 : memref<!tpu.dma_semaphore, #tpu.memory_space<semaphore_mem>>)
    %dma_wait3A_192 = arith.constant 0 : i32
    %dma_wait3A_193 = arith.constant 0 : i32
    %dma_wait3A_194 = arith.constant 0 : i32
    %dma_wait3A_195 = tpu.memref_slice %arg6[%dma_wait3A_192, %dma_wait3A_193, %dma_wait3A_194] : memref<3x16x2048xf32, #tpu.memory_space<vmem>> -> memref<1x16x2048xf32, #tpu.memory_space<vmem>>
    %dma_wait3A_196 = tpu.memref_squeeze %dma_wait3A_195 : memref<1x16x2048xf32, #tpu.memory_space<vmem>> -> memref<16x2048xf32, #tpu.memory_space<vmem>>
    %dma_wait3A_197 = arith.constant 48 : i32
    %dma_wait3A_198 = tpu.memref_slice %arg5[%dma_wait3A_197] : memref<256xi32, #tpu.memory_space<vmem>> -> memref<16xi32, #tpu.memory_space<vmem>>
    %dma_wait3A_199 = arith.constant 0 : i32
    %dma_wait3A_200 = arith.constant 0 : i32
    %dma_wait3A_201 = tpu.memref_slice %arg3[%dma_wait3A_199, %dma_wait3A_200] : memref<100000x2048xf32, #tpu.memory_space<hbm>> -> memref<100000x2048xf32, #tpu.memory_space<hbm>>
    tpu.wait_indirect_dma semaphore(%arg7 : memref<!tpu.dma_semaphore, #tpu.memory_space<semaphore_mem>>) src(%dma_wait3A_201 : memref<100000x2048xf32, #tpu.memory_space<hbm>>) dst(%dma_wait3A_196 : memref<16x2048xf32, #tpu.memory_space<vmem>>)
    %add3A_202 = arith.constant 48 : i32
    %add3A_203 = arith.addi %mul3A_32, %add3A_202 : i32
    %dma_start3A_204 = arith.constant 0 : i32
    %dma_start3A_205 = arith.constant 0 : i32
    %dma_start3A_206 = arith.constant 0 : i32
    %dma_start3A_207 = tpu.memref_slice %arg6[%dma_start3A_204, %dma_start3A_205, %dma_start3A_206] : memref<3x16x2048xf32, #tpu.memory_space<vmem>> -> memref<1x16x2048xf32, #tpu.memory_space<vmem>>
    %dma_start3A_208 = tpu.memref_squeeze %dma_start3A_207 : memref<1x16x2048xf32, #tpu.memory_space<vmem>> -> memref<16x2048xf32, #tpu.memory_space<vmem>>
    %dma_start3A_209 = arith.constant 0 : i32
    %dma_start3A_210 = tpu.memref_slice %arg4[%select_n3A, %add3A_203, %dma_start3A_209] : memref<4x2048x2048xf32, #tpu.memory_space<hbm>> -> memref<1x16x2048xf32, #tpu.memory_space<hbm>>
    %dma_start3A_211 = tpu.memref_squeeze %dma_start3A_210 : memref<1x16x2048xf32, #tpu.memory_space<hbm>> -> memref<16x2048xf32, #tpu.memory_space<hbm>>
    %dma_start3A_212 = arith.constant 0 : i32
    %dma_start3A_213 = tpu.memref_slice %arg4[%select_n3A, %add3A_203, %dma_start3A_212] : memref<4x2048x2048xf32, #tpu.memory_space<hbm>> -> memref<1x16x2048xf32, #tpu.memory_space<hbm>>
    %dma_start3A_214 = tpu.memref_squeeze %dma_start3A_213 : memref<1x16x2048xf32, #tpu.memory_space<hbm>> -> memref<16x2048xf32, #tpu.memory_space<hbm>>
    %dma_start3A_215 = arith.constant 0 : i32
    %dma_start3A_216 = arith.constant 0 : i32
    %dma_start3A_217 = tpu.memref_slice %arg6[%dma_start3A_204, %dma_start3A_215, %dma_start3A_216] : memref<3x16x2048xf32, #tpu.memory_space<vmem>> -> memref<1x16x2048xf32, #tpu.memory_space<vmem>>
    %dma_start3A_218 = tpu.memref_squeeze %dma_start3A_217 : memref<1x16x2048xf32, #tpu.memory_space<vmem>> -> memref<16x2048xf32, #tpu.memory_space<vmem>>
    tpu.enqueue_dma source(%dma_start3A_218 : memref<16x2048xf32, #tpu.memory_space<vmem>>) target(%dma_start3A_214 : memref<16x2048xf32, #tpu.memory_space<hbm>>) target_semaphore(%arg8 : memref<!tpu.dma_semaphore, #tpu.memory_space<semaphore_mem>>)
    %dma_wait3A_219 = arith.constant 2 : i32
    %dma_wait3A_220 = arith.constant 0 : i32
    %dma_wait3A_221 = arith.constant 0 : i32
    %dma_wait3A_222 = tpu.memref_slice %arg6[%dma_wait3A_219, %dma_wait3A_220, %dma_wait3A_221] : memref<3x16x2048xf32, #tpu.memory_space<vmem>> -> memref<1x16x2048xf32, #tpu.memory_space<vmem>>
    %dma_wait3A_223 = tpu.memref_squeeze %dma_wait3A_222 : memref<1x16x2048xf32, #tpu.memory_space<vmem>> -> memref<16x2048xf32, #tpu.memory_space<vmem>>
    %dma_wait3A_224 = arith.constant 0 : i32
    %dma_wait3A_225 = tpu.memref_slice %arg4[%select_n3A, %add3A_151, %dma_wait3A_224] : memref<4x2048x2048xf32, #tpu.memory_space<hbm>> -> memref<1x16x2048xf32, #tpu.memory_space<hbm>>
    %dma_wait3A_226 = tpu.memref_squeeze %dma_wait3A_225 : memref<1x16x2048xf32, #tpu.memory_space<hbm>> -> memref<16x2048xf32, #tpu.memory_space<hbm>>
    %dma_wait3A_227 = arith.constant 0 : i32
    %dma_wait3A_228 = tpu.memref_slice %arg4[%select_n3A, %add3A_151, %dma_wait3A_227] : memref<4x2048x2048xf32, #tpu.memory_space<hbm>> -> memref<1x16x2048xf32, #tpu.memory_space<hbm>>
    %dma_wait3A_229 = tpu.memref_squeeze %dma_wait3A_228 : memref<1x16x2048xf32, #tpu.memory_space<hbm>> -> memref<16x2048xf32, #tpu.memory_space<hbm>>
    %dma_wait3A_230 = arith.constant 0 : i32
    %dma_wait3A_231 = arith.constant 0 : i32
    %dma_wait3A_232 = tpu.memref_slice %arg6[%dma_wait3A_219, %dma_wait3A_230, %dma_wait3A_231] : memref<3x16x2048xf32, #tpu.memory_space<vmem>> -> memref<1x16x2048xf32, #tpu.memory_space<vmem>>
    %dma_wait3A_233 = tpu.memref_squeeze %dma_wait3A_232 : memref<1x16x2048xf32, #tpu.memory_space<vmem>> -> memref<16x2048xf32, #tpu.memory_space<vmem>>
    tpu.wait_dma2 semaphore(%arg8 : memref<!tpu.dma_semaphore, #tpu.memory_space<semaphore_mem>>) src(%dma_wait3A_233 : memref<16x2048xf32, #tpu.memory_space<vmem>>) dst(%dma_wait3A_229 : memref<16x2048xf32, #tpu.memory_space<hbm>>)
    %dma_start3A_234 = arith.constant 2 : i32
    %dma_start3A_235 = arith.constant 0 : i32
    %dma_start3A_236 = arith.constant 0 : i32
    %dma_start3A_237 = tpu.memref_slice %arg6[%dma_start3A_234, %dma_start3A_235, %dma_start3A_236] : memref<3x16x2048xf32, #tpu.memory_space<vmem>> -> memref<1x16x2048xf32, #tpu.memory_space<vmem>>
    %dma_start3A_238 = tpu.memref_squeeze %dma_start3A_237 : memref<1x16x2048xf32, #tpu.memory_space<vmem>> -> memref<16x2048xf32, #tpu.memory_space<vmem>>
    %dma_start3A_239 = arith.constant 80 : i32
    %dma_start3A_240 = tpu.memref_slice %arg5[%dma_start3A_239] : memref<256xi32, #tpu.memory_space<vmem>> -> memref<16xi32, #tpu.memory_space<vmem>>
    %dma_start3A_241 = arith.constant 0 : i32
    %dma_start3A_242 = arith.constant 0 : i32
    %dma_start3A_243 = tpu.memref_slice %arg3[%dma_start3A_241, %dma_start3A_242] : memref<100000x2048xf32, #tpu.memory_space<hbm>> -> memref<100000x2048xf32, #tpu.memory_space<hbm>>
    tpu.enqueue_indirect_dma source(%dma_start3A_243 : memref<100000x2048xf32, #tpu.memory_space<hbm>>) target(%dma_start3A_238 : memref<16x2048xf32, #tpu.memory_space<vmem>>) offsets(%dma_start3A_240 : memref<16xi32, #tpu.memory_space<vmem>>) semaphore(%arg7 : memref<!tpu.dma_semaphore, #tpu.memory_space<semaphore_mem>>)
    %dma_wait3A_244 = arith.constant 1 : i32
    %dma_wait3A_245 = arith.constant 0 : i32
    %dma_wait3A_246 = arith.constant 0 : i32
    %dma_wait3A_247 = tpu.memref_slice %arg6[%dma_wait3A_244, %dma_wait3A_245, %dma_wait3A_246] : memref<3x16x2048xf32, #tpu.memory_space<vmem>> -> memref<1x16x2048xf32, #tpu.memory_space<vmem>>
    %dma_wait3A_248 = tpu.memref_squeeze %dma_wait3A_247 : memref<1x16x2048xf32, #tpu.memory_space<vmem>> -> memref<16x2048xf32, #tpu.memory_space<vmem>>
    %dma_wait3A_249 = arith.constant 64 : i32
    %dma_wait3A_250 = tpu.memref_slice %arg5[%dma_wait3A_249] : memref<256xi32, #tpu.memory_space<vmem>> -> memref<16xi32, #tpu.memory_space<vmem>>
    %dma_wait3A_251 = arith.constant 0 : i32
    %dma_wait3A_252 = arith.constant 0 : i32
    %dma_wait3A_253 = tpu.memref_slice %arg3[%dma_wait3A_251, %dma_wait3A_252] : memref<100000x2048xf32, #tpu.memory_space<hbm>> -> memref<100000x2048xf32, #tpu.memory_space<hbm>>
    tpu.wait_indirect_dma semaphore(%arg7 : memref<!tpu.dma_semaphore, #tpu.memory_space<semaphore_mem>>) src(%dma_wait3A_253 : memref<100000x2048xf32, #tpu.memory_space<hbm>>) dst(%dma_wait3A_248 : memref<16x2048xf32, #tpu.memory_space<vmem>>)
    %add3A_254 = arith.constant 64 : i32
    %add3A_255 = arith.addi %mul3A_32, %add3A_254 : i32
    %dma_start3A_256 = arith.constant 1 : i32
    %dma_start3A_257 = arith.constant 0 : i32
    %dma_start3A_258 = arith.constant 0 : i32
    %dma_start3A_259 = tpu.memref_slice %arg6[%dma_start3A_256, %dma_start3A_257, %dma_start3A_258] : memref<3x16x2048xf32, #tpu.memory_space<vmem>> -> memref<1x16x2048xf32, #tpu.memory_space<vmem>>
    %dma_start3A_260 = tpu.memref_squeeze %dma_start3A_259 : memref<1x16x2048xf32, #tpu.memory_space<vmem>> -> memref<16x2048xf32, #tpu.memory_space<vmem>>
    %dma_start3A_261 = arith.constant 0 : i32
    %dma_start3A_262 = tpu.memref_slice %arg4[%select_n3A, %add3A_255, %dma_start3A_261] : memref<4x2048x2048xf32, #tpu.memory_space<hbm>> -> memref<1x16x2048xf32, #tpu.memory_space<hbm>>
    %dma_start3A_263 = tpu.memref_squeeze %dma_start3A_262 : memref<1x16x2048xf32, #tpu.memory_space<hbm>> -> memref<16x2048xf32, #tpu.memory_space<hbm>>
    %dma_start3A_264 = arith.constant 0 : i32
    %dma_start3A_265 = tpu.memref_slice %arg4[%select_n3A, %add3A_255, %dma_start3A_264] : memref<4x2048x2048xf32, #tpu.memory_space<hbm>> -> memref<1x16x2048xf32, #tpu.memory_space<hbm>>
    %dma_start3A_266 = tpu.memref_squeeze %dma_start3A_265 : memref<1x16x2048xf32, #tpu.memory_space<hbm>> -> memref<16x2048xf32, #tpu.memory_space<hbm>>
    %dma_start3A_267 = arith.constant 0 : i32
    %dma_start3A_268 = arith.constant 0 : i32
    %dma_start3A_269 = tpu.memref_slice %arg6[%dma_start3A_256, %dma_start3A_267, %dma_start3A_268] : memref<3x16x2048xf32, #tpu.memory_space<vmem>> -> memref<1x16x2048xf32, #tpu.memory_space<vmem>>
    %dma_start3A_270 = tpu.memref_squeeze %dma_start3A_269 : memref<1x16x2048xf32, #tpu.memory_space<vmem>> -> memref<16x2048xf32, #tpu.memory_space<vmem>>
    tpu.enqueue_dma source(%dma_start3A_270 : memref<16x2048xf32, #tpu.memory_space<vmem>>) target(%dma_start3A_266 : memref<16x2048xf32, #tpu.memory_space<hbm>>) target_semaphore(%arg8 : memref<!tpu.dma_semaphore, #tpu.memory_space<semaphore_mem>>)
    %dma_wait3A_271 = arith.constant 0 : i32
    %dma_wait3A_272 = arith.constant 0 : i32
    %dma_wait3A_273 = arith.constant 0 : i32
    %dma_wait3A_274 = tpu.memref_slice %arg6[%dma_wait3A_271, %dma_wait3A_272, %dma_wait3A_273] : memref<3x16x2048xf32, #tpu.memory_space<vmem>> -> memref<1x16x2048xf32, #tpu.memory_space<vmem>>
    %dma_wait3A_275 = tpu.memref_squeeze %dma_wait3A_274 : memref<1x16x2048xf32, #tpu.memory_space<vmem>> -> memref<16x2048xf32, #tpu.memory_space<vmem>>
    %dma_wait3A_276 = arith.constant 0 : i32
    %dma_wait3A_277 = tpu.memref_slice %arg4[%select_n3A, %add3A_203, %dma_wait3A_276] : memref<4x2048x2048xf32, #tpu.memory_space<hbm>> -> memref<1x16x2048xf32, #tpu.memory_space<hbm>>
    %dma_wait3A_278 = tpu.memref_squeeze %dma_wait3A_277 : memref<1x16x2048xf32, #tpu.memory_space<hbm>> -> memref<16x2048xf32, #tpu.memory_space<hbm>>
    %dma_wait3A_279 = arith.constant 0 : i32
    %dma_wait3A_280 = tpu.memref_slice %arg4[%select_n3A, %add3A_203, %dma_wait3A_279] : memref<4x2048x2048xf32, #tpu.memory_space<hbm>> -> memref<1x16x2048xf32, #tpu.memory_space<hbm>>
    %dma_wait3A_281 = tpu.memref_squeeze %dma_wait3A_280 : memref<1x16x2048xf32, #tpu.memory_space<hbm>> -> memref<16x2048xf32, #tpu.memory_space<hbm>>
    %dma_wait3A_282 = arith.constant 0 : i32
    %dma_wait3A_283 = arith.constant 0 : i32
    %dma_wait3A_284 = tpu.memref_slice %arg6[%dma_wait3A_271, %dma_wait3A_282, %dma_wait3A_283] : memref<3x16x2048xf32, #tpu.memory_space<vmem>> -> memref<1x16x2048xf32, #tpu.memory_space<vmem>>
    %dma_wait3A_285 = tpu.memref_squeeze %dma_wait3A_284 : memref<1x16x2048xf32, #tpu.memory_space<vmem>> -> memref<16x2048xf32, #tpu.memory_space<vmem>>
    tpu.wait_dma2 semaphore(%arg8 : memref<!tpu.dma_semaphore, #tpu.memory_space<semaphore_mem>>) src(%dma_wait3A_285 : memref<16x2048xf32, #tpu.memory_space<vmem>>) dst(%dma_wait3A_281 : memref<16x2048xf32, #tpu.memory_space<hbm>>)
    %dma_start3A_286 = arith.constant 0 : i32
    %dma_start3A_287 = arith.constant 0 : i32
    %dma_start3A_288 = arith.constant 0 : i32
    %dma_start3A_289 = tpu.memref_slice %arg6[%dma_start3A_286, %dma_start3A_287, %dma_start3A_288] : memref<3x16x2048xf32, #tpu.memory_space<vmem>> -> memref<1x16x2048xf32, #tpu.memory_space<vmem>>
    %dma_start3A_290 = tpu.memref_squeeze %dma_start3A_289 : memref<1x16x2048xf32, #tpu.memory_space<vmem>> -> memref<16x2048xf32, #tpu.memory_space<vmem>>
    %dma_start3A_291 = arith.constant 96 : i32
    %dma_start3A_292 = tpu.memref_slice %arg5[%dma_start3A_291] : memref<256xi32, #tpu.memory_space<vmem>> -> memref<16xi32, #tpu.memory_space<vmem>>
    %dma_start3A_293 = arith.constant 0 : i32
    %dma_start3A_294 = arith.constant 0 : i32
    %dma_start3A_295 = tpu.memref_slice %arg3[%dma_start3A_293, %dma_start3A_294] : memref<100000x2048xf32, #tpu.memory_space<hbm>> -> memref<100000x2048xf32, #tpu.memory_space<hbm>>
    tpu.enqueue_indirect_dma source(%dma_start3A_295 : memref<100000x2048xf32, #tpu.memory_space<hbm>>) target(%dma_start3A_290 : memref<16x2048xf32, #tpu.memory_space<vmem>>) offsets(%dma_start3A_292 : memref<16xi32, #tpu.memory_space<vmem>>) semaphore(%arg7 : memref<!tpu.dma_semaphore, #tpu.memory_space<semaphore_mem>>)
    %dma_wait3A_296 = arith.constant 2 : i32
    %dma_wait3A_297 = arith.constant 0 : i32
    %dma_wait3A_298 = arith.constant 0 : i32
    %dma_wait3A_299 = tpu.memref_slice %arg6[%dma_wait3A_296, %dma_wait3A_297, %dma_wait3A_298] : memref<3x16x2048xf32, #tpu.memory_space<vmem>> -> memref<1x16x2048xf32, #tpu.memory_space<vmem>>
    %dma_wait3A_300 = tpu.memref_squeeze %dma_wait3A_299 : memref<1x16x2048xf32, #tpu.memory_space<vmem>> -> memref<16x2048xf32, #tpu.memory_space<vmem>>
    %dma_wait3A_301 = arith.constant 80 : i32
    %dma_wait3A_302 = tpu.memref_slice %arg5[%dma_wait3A_301] : memref<256xi32, #tpu.memory_space<vmem>> -> memref<16xi32, #tpu.memory_space<vmem>>
    %dma_wait3A_303 = arith.constant 0 : i32
    %dma_wait3A_304 = arith.constant 0 : i32
    %dma_wait3A_305 = tpu.memref_slice %arg3[%dma_wait3A_303, %dma_wait3A_304] : memref<100000x2048xf32, #tpu.memory_space<hbm>> -> memref<100000x2048xf32, #tpu.memory_space<hbm>>
    tpu.wait_indirect_dma semaphore(%arg7 : memref<!tpu.dma_semaphore, #tpu.memory_space<semaphore_mem>>) src(%dma_wait3A_305 : memref<100000x2048xf32, #tpu.memory_space<hbm>>) dst(%dma_wait3A_300 : memref<16x2048xf32, #tpu.memory_space<vmem>>)
    %add3A_306 = arith.constant 80 : i32
    %add3A_307 = arith.addi %mul3A_32, %add3A_306 : i32
    %dma_start3A_308 = arith.constant 2 : i32
    %dma_start3A_309 = arith.constant 0 : i32
    %dma_start3A_310 = arith.constant 0 : i32
    %dma_start3A_311 = tpu.memref_slice %arg6[%dma_start3A_308, %dma_start3A_309, %dma_start3A_310] : memref<3x16x2048xf32, #tpu.memory_space<vmem>> -> memref<1x16x2048xf32, #tpu.memory_space<vmem>>
    %dma_start3A_312 = tpu.memref_squeeze %dma_start3A_311 : memref<1x16x2048xf32, #tpu.memory_space<vmem>> -> memref<16x2048xf32, #tpu.memory_space<vmem>>
    %dma_start3A_313 = arith.constant 0 : i32
    %dma_start3A_314 = tpu.memref_slice %arg4[%select_n3A, %add3A_307, %dma_start3A_313] : memref<4x2048x2048xf32, #tpu.memory_space<hbm>> -> memref<1x16x2048xf32, #tpu.memory_space<hbm>>
    %dma_start3A_315 = tpu.memref_squeeze %dma_start3A_314 : memref<1x16x2048xf32, #tpu.memory_space<hbm>> -> memref<16x2048xf32, #tpu.memory_space<hbm>>
    %dma_start3A_316 = arith.constant 0 : i32
    %dma_start3A_317 = tpu.memref_slice %arg4[%select_n3A, %add3A_307, %dma_start3A_316] : memref<4x2048x2048xf32, #tpu.memory_space<hbm>> -> memref<1x16x2048xf32, #tpu.memory_space<hbm>>
    %dma_start3A_318 = tpu.memref_squeeze %dma_start3A_317 : memref<1x16x2048xf32, #tpu.memory_space<hbm>> -> memref<16x2048xf32, #tpu.memory_space<hbm>>
    %dma_start3A_319 = arith.constant 0 : i32
    %dma_start3A_320 = arith.constant 0 : i32
    %dma_start3A_321 = tpu.memref_slice %arg6[%dma_start3A_308, %dma_start3A_319, %dma_start3A_320] : memref<3x16x2048xf32, #tpu.memory_space<vmem>> -> memref<1x16x2048xf32, #tpu.memory_space<vmem>>
    %dma_start3A_322 = tpu.memref_squeeze %dma_start3A_321 : memref<1x16x2048xf32, #tpu.memory_space<vmem>> -> memref<16x2048xf32, #tpu.memory_space<vmem>>
    tpu.enqueue_dma source(%dma_start3A_322 : memref<16x2048xf32, #tpu.memory_space<vmem>>) target(%dma_start3A_318 : memref<16x2048xf32, #tpu.memory_space<hbm>>) target_semaphore(%arg8 : memref<!tpu.dma_semaphore, #tpu.memory_space<semaphore_mem>>)
    %dma_wait3A_323 = arith.constant 1 : i32
    %dma_wait3A_324 = arith.constant 0 : i32
    %dma_wait3A_325 = arith.constant 0 : i32
    %dma_wait3A_326 = tpu.memref_slice %arg6[%dma_wait3A_323, %dma_wait3A_324, %dma_wait3A_325] : memref<3x16x2048xf32, #tpu.memory_space<vmem>> -> memref<1x16x2048xf32, #tpu.memory_space<vmem>>
    %dma_wait3A_327 = tpu.memref_squeeze %dma_wait3A_326 : memref<1x16x2048xf32, #tpu.memory_space<vmem>> -> memref<16x2048xf32, #tpu.memory_space<vmem>>
    %dma_wait3A_328 = arith.constant 0 : i32
    %dma_wait3A_329 = tpu.memref_slice %arg4[%select_n3A, %add3A_255, %dma_wait3A_328] : memref<4x2048x2048xf32, #tpu.memory_space<hbm>> -> memref<1x16x2048xf32, #tpu.memory_space<hbm>>
    %dma_wait3A_330 = tpu.memref_squeeze %dma_wait3A_329 : memref<1x16x2048xf32, #tpu.memory_space<hbm>> -> memref<16x2048xf32, #tpu.memory_space<hbm>>
    %dma_wait3A_331 = arith.constant 0 : i32
    %dma_wait3A_332 = tpu.memref_slice %arg4[%select_n3A, %add3A_255, %dma_wait3A_331] : memref<4x2048x2048xf32, #tpu.memory_space<hbm>> -> memref<1x16x2048xf32, #tpu.memory_space<hbm>>
    %dma_wait3A_333 = tpu.memref_squeeze %dma_wait3A_332 : memref<1x16x2048xf32, #tpu.memory_space<hbm>> -> memref<16x2048xf32, #tpu.memory_space<hbm>>
    %dma_wait3A_334 = arith.constant 0 : i32
    %dma_wait3A_335 = arith.constant 0 : i32
    %dma_wait3A_336 = tpu.memref_slice %arg6[%dma_wait3A_323, %dma_wait3A_334, %dma_wait3A_335] : memref<3x16x2048xf32, #tpu.memory_space<vmem>> -> memref<1x16x2048xf32, #tpu.memory_space<vmem>>
    %dma_wait3A_337 = tpu.memref_squeeze %dma_wait3A_336 : memref<1x16x2048xf32, #tpu.memory_space<vmem>> -> memref<16x2048xf32, #tpu.memory_space<vmem>>
    tpu.wait_dma2 semaphore(%arg8 : memref<!tpu.dma_semaphore, #tpu.memory_space<semaphore_mem>>) src(%dma_wait3A_337 : memref<16x2048xf32, #tpu.memory_space<vmem>>) dst(%dma_wait3A_333 : memref<16x2048xf32, #tpu.memory_space<hbm>>)
    %dma_start3A_338 = arith.constant 1 : i32
    %dma_start3A_339 = arith.constant 0 : i32
    %dma_start3A_340 = arith.constant 0 : i32
    %dma_start3A_341 = tpu.memref_slice %arg6[%dma_start3A_338, %dma_start3A_339, %dma_start3A_340] : memref<3x16x2048xf32, #tpu.memory_space<vmem>> -> memref<1x16x2048xf32, #tpu.memory_space<vmem>>
    %dma_start3A_342 = tpu.memref_squeeze %dma_start3A_341 : memref<1x16x2048xf32, #tpu.memory_space<vmem>> -> memref<16x2048xf32, #tpu.memory_space<vmem>>
    %dma_start3A_343 = arith.constant 112 : i32
    %dma_start3A_344 = tpu.memref_slice %arg5[%dma_start3A_343] : memref<256xi32, #tpu.memory_space<vmem>> -> memref<16xi32, #tpu.memory_space<vmem>>
    %dma_start3A_345 = arith.constant 0 : i32
    %dma_start3A_346 = arith.constant 0 : i32
    %dma_start3A_347 = tpu.memref_slice %arg3[%dma_start3A_345, %dma_start3A_346] : memref<100000x2048xf32, #tpu.memory_space<hbm>> -> memref<100000x2048xf32, #tpu.memory_space<hbm>>
    tpu.enqueue_indirect_dma source(%dma_start3A_347 : memref<100000x2048xf32, #tpu.memory_space<hbm>>) target(%dma_start3A_342 : memref<16x2048xf32, #tpu.memory_space<vmem>>) offsets(%dma_start3A_344 : memref<16xi32, #tpu.memory_space<vmem>>) semaphore(%arg7 : memref<!tpu.dma_semaphore, #tpu.memory_space<semaphore_mem>>)
    %dma_wait3A_348 = arith.constant 0 : i32
    %dma_wait3A_349 = arith.constant 0 : i32
    %dma_wait3A_350 = arith.constant 0 : i32
    %dma_wait3A_351 = tpu.memref_slice %arg6[%dma_wait3A_348, %dma_wait3A_349, %dma_wait3A_350] : memref<3x16x2048xf32, #tpu.memory_space<vmem>> -> memref<1x16x2048xf32, #tpu.memory_space<vmem>>
    %dma_wait3A_352 = tpu.memref_squeeze %dma_wait3A_351 : memref<1x16x2048xf32, #tpu.memory_space<vmem>> -> memref<16x2048xf32, #tpu.memory_space<vmem>>
    %dma_wait3A_353 = arith.constant 96 : i32
    %dma_wait3A_354 = tpu.memref_slice %arg5[%dma_wait3A_353] : memref<256xi32, #tpu.memory_space<vmem>> -> memref<16xi32, #tpu.memory_space<vmem>>
    %dma_wait3A_355 = arith.constant 0 : i32
    %dma_wait3A_356 = arith.constant 0 : i32
    %dma_wait3A_357 = tpu.memref_slice %arg3[%dma_wait3A_355, %dma_wait3A_356] : memref<100000x2048xf32, #tpu.memory_space<hbm>> -> memref<100000x2048xf32, #tpu.memory_space<hbm>>
    tpu.wait_indirect_dma semaphore(%arg7 : memref<!tpu.dma_semaphore, #tpu.memory_space<semaphore_mem>>) src(%dma_wait3A_357 : memref<100000x2048xf32, #tpu.memory_space<hbm>>) dst(%dma_wait3A_352 : memref<16x2048xf32, #tpu.memory_space<vmem>>)
    %add3A_358 = arith.constant 96 : i32
    %add3A_359 = arith.addi %mul3A_32, %add3A_358 : i32
    %dma_start3A_360 = arith.constant 0 : i32
    %dma_start3A_361 = arith.constant 0 : i32
    %dma_start3A_362 = arith.constant 0 : i32
    %dma_start3A_363 = tpu.memref_slice %arg6[%dma_start3A_360, %dma_start3A_361, %dma_start3A_362] : memref<3x16x2048xf32, #tpu.memory_space<vmem>> -> memref<1x16x2048xf32, #tpu.memory_space<vmem>>
    %dma_start3A_364 = tpu.memref_squeeze %dma_start3A_363 : memref<1x16x2048xf32, #tpu.memory_space<vmem>> -> memref<16x2048xf32, #tpu.memory_space<vmem>>
    %dma_start3A_365 = arith.constant 0 : i32
    %dma_start3A_366 = tpu.memref_slice %arg4[%select_n3A, %add3A_359, %dma_start3A_365] : memref<4x2048x2048xf32, #tpu.memory_space<hbm>> -> memref<1x16x2048xf32, #tpu.memory_space<hbm>>
    %dma_start3A_367 = tpu.memref_squeeze %dma_start3A_366 : memref<1x16x2048xf32, #tpu.memory_space<hbm>> -> memref<16x2048xf32, #tpu.memory_space<hbm>>
    %dma_start3A_368 = arith.constant 0 : i32
    %dma_start3A_369 = tpu.memref_slice %arg4[%select_n3A, %add3A_359, %dma_start3A_368] : memref<4x2048x2048xf32, #tpu.memory_space<hbm>> -> memref<1x16x2048xf32, #tpu.memory_space<hbm>>
    %dma_start3A_370 = tpu.memref_squeeze %dma_start3A_369 : memref<1x16x2048xf32, #tpu.memory_space<hbm>> -> memref<16x2048xf32, #tpu.memory_space<hbm>>
    %dma_start3A_371 = arith.constant 0 : i32
    %dma_start3A_372 = arith.constant 0 : i32
    %dma_start3A_373 = tpu.memref_slice %arg6[%dma_start3A_360, %dma_start3A_371, %dma_start3A_372] : memref<3x16x2048xf32, #tpu.memory_space<vmem>> -> memref<1x16x2048xf32, #tpu.memory_space<vmem>>
    %dma_start3A_374 = tpu.memref_squeeze %dma_start3A_373 : memref<1x16x2048xf32, #tpu.memory_space<vmem>> -> memref<16x2048xf32, #tpu.memory_space<vmem>>
    tpu.enqueue_dma source(%dma_start3A_374 : memref<16x2048xf32, #tpu.memory_space<vmem>>) target(%dma_start3A_370 : memref<16x2048xf32, #tpu.memory_space<hbm>>) target_semaphore(%arg8 : memref<!tpu.dma_semaphore, #tpu.memory_space<semaphore_mem>>)
    %dma_wait3A_375 = arith.constant 2 : i32
    %dma_wait3A_376 = arith.constant 0 : i32
    %dma_wait3A_377 = arith.constant 0 : i32
    %dma_wait3A_378 = tpu.memref_slice %arg6[%dma_wait3A_375, %dma_wait3A_376, %dma_wait3A_377] : memref<3x16x2048xf32, #tpu.memory_space<vmem>> -> memref<1x16x2048xf32, #tpu.memory_space<vmem>>
    %dma_wait3A_379 = tpu.memref_squeeze %dma_wait3A_378 : memref<1x16x2048xf32, #tpu.memory_space<vmem>> -> memref<16x2048xf32, #tpu.memory_space<vmem>>
    %dma_wait3A_380 = arith.constant 0 : i32
    %dma_wait3A_381 = tpu.memref_slice %arg4[%select_n3A, %add3A_307, %dma_wait3A_380] : memref<4x2048x2048xf32, #tpu.memory_space<hbm>> -> memref<1x16x2048xf32, #tpu.memory_space<hbm>>
    %dma_wait3A_382 = tpu.memref_squeeze %dma_wait3A_381 : memref<1x16x2048xf32, #tpu.memory_space<hbm>> -> memref<16x2048xf32, #tpu.memory_space<hbm>>
    %dma_wait3A_383 = arith.constant 0 : i32
    %dma_wait3A_384 = tpu.memref_slice %arg4[%select_n3A, %add3A_307, %dma_wait3A_383] : memref<4x2048x2048xf32, #tpu.memory_space<hbm>> -> memref<1x16x2048xf32, #tpu.memory_space<hbm>>
    %dma_wait3A_385 = tpu.memref_squeeze %dma_wait3A_384 : memref<1x16x2048xf32, #tpu.memory_space<hbm>> -> memref<16x2048xf32, #tpu.memory_space<hbm>>
    %dma_wait3A_386 = arith.constant 0 : i32
    %dma_wait3A_387 = arith.constant 0 : i32
    %dma_wait3A_388 = tpu.memref_slice %arg6[%dma_wait3A_375, %dma_wait3A_386, %dma_wait3A_387] : memref<3x16x2048xf32, #tpu.memory_space<vmem>> -> memref<1x16x2048xf32, #tpu.memory_space<vmem>>
    %dma_wait3A_389 = tpu.memref_squeeze %dma_wait3A_388 : memref<1x16x2048xf32, #tpu.memory_space<vmem>> -> memref<16x2048xf32, #tpu.memory_space<vmem>>
    tpu.wait_dma2 semaphore(%arg8 : memref<!tpu.dma_semaphore, #tpu.memory_space<semaphore_mem>>) src(%dma_wait3A_389 : memref<16x2048xf32, #tpu.memory_space<vmem>>) dst(%dma_wait3A_385 : memref<16x2048xf32, #tpu.memory_space<hbm>>)
    %dma_start3A_390 = arith.constant 2 : i32
    %dma_start3A_391 = arith.constant 0 : i32
    %dma_start3A_392 = arith.constant 0 : i32
    %dma_start3A_393 = tpu.memref_slice %arg6[%dma_start3A_390, %dma_start3A_391, %dma_start3A_392] : memref<3x16x2048xf32, #tpu.memory_space<vmem>> -> memref<1x16x2048xf32, #tpu.memory_space<vmem>>
    %dma_start3A_394 = tpu.memref_squeeze %dma_start3A_393 : memref<1x16x2048xf32, #tpu.memory_space<vmem>> -> memref<16x2048xf32, #tpu.memory_space<vmem>>
    %dma_start3A_395 = arith.constant 128 : i32
    %dma_start3A_396 = tpu.memref_slice %arg5[%dma_start3A_395] : memref<256xi32, #tpu.memory_space<vmem>> -> memref<16xi32, #tpu.memory_space<vmem>>
    %dma_start3A_397 = arith.constant 0 : i32
    %dma_start3A_398 = arith.constant 0 : i32
    %dma_start3A_399 = tpu.memref_slice %arg3[%dma_start3A_397, %dma_start3A_398] : memref<100000x2048xf32, #tpu.memory_space<hbm>> -> memref<100000x2048xf32, #tpu.memory_space<hbm>>
    tpu.enqueue_indirect_dma source(%dma_start3A_399 : memref<100000x2048xf32, #tpu.memory_space<hbm>>) target(%dma_start3A_394 : memref<16x2048xf32, #tpu.memory_space<vmem>>) offsets(%dma_start3A_396 : memref<16xi32, #tpu.memory_space<vmem>>) semaphore(%arg7 : memref<!tpu.dma_semaphore, #tpu.memory_space<semaphore_mem>>)
    %dma_wait3A_400 = arith.constant 1 : i32
    %dma_wait3A_401 = arith.constant 0 : i32
    %dma_wait3A_402 = arith.constant 0 : i32
    %dma_wait3A_403 = tpu.memref_slice %arg6[%dma_wait3A_400, %dma_wait3A_401, %dma_wait3A_402] : memref<3x16x2048xf32, #tpu.memory_space<vmem>> -> memref<1x16x2048xf32, #tpu.memory_space<vmem>>
    %dma_wait3A_404 = tpu.memref_squeeze %dma_wait3A_403 : memref<1x16x2048xf32, #tpu.memory_space<vmem>> -> memref<16x2048xf32, #tpu.memory_space<vmem>>
    %dma_wait3A_405 = arith.constant 112 : i32
    %dma_wait3A_406 = tpu.memref_slice %arg5[%dma_wait3A_405] : memref<256xi32, #tpu.memory_space<vmem>> -> memref<16xi32, #tpu.memory_space<vmem>>
    %dma_wait3A_407 = arith.constant 0 : i32
    %dma_wait3A_408 = arith.constant 0 : i32
    %dma_wait3A_409 = tpu.memref_slice %arg3[%dma_wait3A_407, %dma_wait3A_408] : memref<100000x2048xf32, #tpu.memory_space<hbm>> -> memref<100000x2048xf32, #tpu.memory_space<hbm>>
    tpu.wait_indirect_dma semaphore(%arg7 : memref<!tpu.dma_semaphore, #tpu.memory_space<semaphore_mem>>) src(%dma_wait3A_409 : memref<100000x2048xf32, #tpu.memory_space<hbm>>) dst(%dma_wait3A_404 : memref<16x2048xf32, #tpu.memory_space<vmem>>)
    %add3A_410 = arith.constant 112 : i32
    %add3A_411 = arith.addi %mul3A_32, %add3A_410 : i32
    %dma_start3A_412 = arith.constant 1 : i32
    %dma_start3A_413 = arith.constant 0 : i32
    %dma_start3A_414 = arith.constant 0 : i32
    %dma_start3A_415 = tpu.memref_slice %arg6[%dma_start3A_412, %dma_start3A_413, %dma_start3A_414] : memref<3x16x2048xf32, #tpu.memory_space<vmem>> -> memref<1x16x2048xf32, #tpu.memory_space<vmem>>
    %dma_start3A_416 = tpu.memref_squeeze %dma_start3A_415 : memref<1x16x2048xf32, #tpu.memory_space<vmem>> -> memref<16x2048xf32, #tpu.memory_space<vmem>>
    %dma_start3A_417 = arith.constant 0 : i32
    %dma_start3A_418 = tpu.memref_slice %arg4[%select_n3A, %add3A_411, %dma_start3A_417] : memref<4x2048x2048xf32, #tpu.memory_space<hbm>> -> memref<1x16x2048xf32, #tpu.memory_space<hbm>>
    %dma_start3A_419 = tpu.memref_squeeze %dma_start3A_418 : memref<1x16x2048xf32, #tpu.memory_space<hbm>> -> memref<16x2048xf32, #tpu.memory_space<hbm>>
    %dma_start3A_420 = arith.constant 0 : i32
    %dma_start3A_421 = tpu.memref_slice %arg4[%select_n3A, %add3A_411, %dma_start3A_420] : memref<4x2048x2048xf32, #tpu.memory_space<hbm>> -> memref<1x16x2048xf32, #tpu.memory_space<hbm>>
    %dma_start3A_422 = tpu.memref_squeeze %dma_start3A_421 : memref<1x16x2048xf32, #tpu.memory_space<hbm>> -> memref<16x2048xf32, #tpu.memory_space<hbm>>
    %dma_start3A_423 = arith.constant 0 : i32
    %dma_start3A_424 = arith.constant 0 : i32
    %dma_start3A_425 = tpu.memref_slice %arg6[%dma_start3A_412, %dma_start3A_423, %dma_start3A_424] : memref<3x16x2048xf32, #tpu.memory_space<vmem>> -> memref<1x16x2048xf32, #tpu.memory_space<vmem>>
    %dma_start3A_426 = tpu.memref_squeeze %dma_start3A_425 : memref<1x16x2048xf32, #tpu.memory_space<vmem>> -> memref<16x2048xf32, #tpu.memory_space<vmem>>
    tpu.enqueue_dma source(%dma_start3A_426 : memref<16x2048xf32, #tpu.memory_space<vmem>>) target(%dma_start3A_422 : memref<16x2048xf32, #tpu.memory_space<hbm>>) target_semaphore(%arg8 : memref<!tpu.dma_semaphore, #tpu.memory_space<semaphore_mem>>)
    %dma_wait3A_427 = arith.constant 0 : i32
    %dma_wait3A_428 = arith.constant 0 : i32
    %dma_wait3A_429 = arith.constant 0 : i32
    %dma_wait3A_430 = tpu.memref_slice %arg6[%dma_wait3A_427, %dma_wait3A_428, %dma_wait3A_429] : memref<3x16x2048xf32, #tpu.memory_space<vmem>> -> memref<1x16x2048xf32, #tpu.memory_space<vmem>>
    %dma_wait3A_431 = tpu.memref_squeeze %dma_wait3A_430 : memref<1x16x2048xf32, #tpu.memory_space<vmem>> -> memref<16x2048xf32, #tpu.memory_space<vmem>>
    %dma_wait3A_432 = arith.constant 0 : i32
    %dma_wait3A_433 = tpu.memref_slice %arg4[%select_n3A, %add3A_359, %dma_wait3A_432] : memref<4x2048x2048xf32, #tpu.memory_space<hbm>> -> memref<1x16x2048xf32, #tpu.memory_space<hbm>>
    %dma_wait3A_434 = tpu.memref_squeeze %dma_wait3A_433 : memref<1x16x2048xf32, #tpu.memory_space<hbm>> -> memref<16x2048xf32, #tpu.memory_space<hbm>>
    %dma_wait3A_435 = arith.constant 0 : i32
    %dma_wait3A_436 = tpu.memref_slice %arg4[%select_n3A, %add3A_359, %dma_wait3A_435] : memref<4x2048x2048xf32, #tpu.memory_space<hbm>> -> memref<1x16x2048xf32, #tpu.memory_space<hbm>>
    %dma_wait3A_437 = tpu.memref_squeeze %dma_wait3A_436 : memref<1x16x2048xf32, #tpu.memory_space<hbm>> -> memref<16x2048xf32, #tpu.memory_space<hbm>>
    %dma_wait3A_438 = arith.constant 0 : i32
    %dma_wait3A_439 = arith.constant 0 : i32
    %dma_wait3A_440 = tpu.memref_slice %arg6[%dma_wait3A_427, %dma_wait3A_438, %dma_wait3A_439] : memref<3x16x2048xf32, #tpu.memory_space<vmem>> -> memref<1x16x2048xf32, #tpu.memory_space<vmem>>
    %dma_wait3A_441 = tpu.memref_squeeze %dma_wait3A_440 : memref<1x16x2048xf32, #tpu.memory_space<vmem>> -> memref<16x2048xf32, #tpu.memory_space<vmem>>
    tpu.wait_dma2 semaphore(%arg8 : memref<!tpu.dma_semaphore, #tpu.memory_space<semaphore_mem>>) src(%dma_wait3A_441 : memref<16x2048xf32, #tpu.memory_space<vmem>>) dst(%dma_wait3A_437 : memref<16x2048xf32, #tpu.memory_space<hbm>>)
    %dma_start3A_442 = arith.constant 0 : i32
    %dma_start3A_443 = arith.constant 0 : i32
    %dma_start3A_444 = arith.constant 0 : i32
    %dma_start3A_445 = tpu.memref_slice %arg6[%dma_start3A_442, %dma_start3A_443, %dma_start3A_444] : memref<3x16x2048xf32, #tpu.memory_space<vmem>> -> memref<1x16x2048xf32, #tpu.memory_space<vmem>>
    %dma_start3A_446 = tpu.memref_squeeze %dma_start3A_445 : memref<1x16x2048xf32, #tpu.memory_space<vmem>> -> memref<16x2048xf32, #tpu.memory_space<vmem>>
    %dma_start3A_447 = arith.constant 144 : i32
    %dma_start3A_448 = tpu.memref_slice %arg5[%dma_start3A_447] : memref<256xi32, #tpu.memory_space<vmem>> -> memref<16xi32, #tpu.memory_space<vmem>>
    %dma_start3A_449 = arith.constant 0 : i32
    %dma_start3A_450 = arith.constant 0 : i32
    %dma_start3A_451 = tpu.memref_slice %arg3[%dma_start3A_449, %dma_start3A_450] : memref<100000x2048xf32, #tpu.memory_space<hbm>> -> memref<100000x2048xf32, #tpu.memory_space<hbm>>
    tpu.enqueue_indirect_dma source(%dma_start3A_451 : memref<100000x2048xf32, #tpu.memory_space<hbm>>) target(%dma_start3A_446 : memref<16x2048xf32, #tpu.memory_space<vmem>>) offsets(%dma_start3A_448 : memref<16xi32, #tpu.memory_space<vmem>>) semaphore(%arg7 : memref<!tpu.dma_semaphore, #tpu.memory_space<semaphore_mem>>)
    %dma_wait3A_452 = arith.constant 2 : i32
    %dma_wait3A_453 = arith.constant 0 : i32
    %dma_wait3A_454 = arith.constant 0 : i32
    %dma_wait3A_455 = tpu.memref_slice %arg6[%dma_wait3A_452, %dma_wait3A_453, %dma_wait3A_454] : memref<3x16x2048xf32, #tpu.memory_space<vmem>> -> memref<1x16x2048xf32, #tpu.memory_space<vmem>>
    %dma_wait3A_456 = tpu.memref_squeeze %dma_wait3A_455 : memref<1x16x2048xf32, #tpu.memory_space<vmem>> -> memref<16x2048xf32, #tpu.memory_space<vmem>>
    %dma_wait3A_457 = arith.constant 128 : i32
    %dma_wait3A_458 = tpu.memref_slice %arg5[%dma_wait3A_457] : memref<256xi32, #tpu.memory_space<vmem>> -> memref<16xi32, #tpu.memory_space<vmem>>
    %dma_wait3A_459 = arith.constant 0 : i32
    %dma_wait3A_460 = arith.constant 0 : i32
    %dma_wait3A_461 = tpu.memref_slice %arg3[%dma_wait3A_459, %dma_wait3A_460] : memref<100000x2048xf32, #tpu.memory_space<hbm>> -> memref<100000x2048xf32, #tpu.memory_space<hbm>>
    tpu.wait_indirect_dma semaphore(%arg7 : memref<!tpu.dma_semaphore, #tpu.memory_space<semaphore_mem>>) src(%dma_wait3A_461 : memref<100000x2048xf32, #tpu.memory_space<hbm>>) dst(%dma_wait3A_456 : memref<16x2048xf32, #tpu.memory_space<vmem>>)
    %add3A_462 = arith.constant 128 : i32
    %add3A_463 = arith.addi %mul3A_32, %add3A_462 : i32
    %dma_start3A_464 = arith.constant 2 : i32
    %dma_start3A_465 = arith.constant 0 : i32
    %dma_start3A_466 = arith.constant 0 : i32
    %dma_start3A_467 = tpu.memref_slice %arg6[%dma_start3A_464, %dma_start3A_465, %dma_start3A_466] : memref<3x16x2048xf32, #tpu.memory_space<vmem>> -> memref<1x16x2048xf32, #tpu.memory_space<vmem>>
    %dma_start3A_468 = tpu.memref_squeeze %dma_start3A_467 : memref<1x16x2048xf32, #tpu.memory_space<vmem>> -> memref<16x2048xf32, #tpu.memory_space<vmem>>
    %dma_start3A_469 = arith.constant 0 : i32
    %dma_start3A_470 = tpu.memref_slice %arg4[%select_n3A, %add3A_463, %dma_start3A_469] : memref<4x2048x2048xf32, #tpu.memory_space<hbm>> -> memref<1x16x2048xf32, #tpu.memory_space<hbm>>
    %dma_start3A_471 = tpu.memref_squeeze %dma_start3A_470 : memref<1x16x2048xf32, #tpu.memory_space<hbm>> -> memref<16x2048xf32, #tpu.memory_space<hbm>>
    %dma_start3A_472 = arith.constant 0 : i32
    %dma_start3A_473 = tpu.memref_slice %arg4[%select_n3A, %add3A_463, %dma_start3A_472] : memref<4x2048x2048xf32, #tpu.memory_space<hbm>> -> memref<1x16x2048xf32, #tpu.memory_space<hbm>>
    %dma_start3A_474 = tpu.memref_squeeze %dma_start3A_473 : memref<1x16x2048xf32, #tpu.memory_space<hbm>> -> memref<16x2048xf32, #tpu.memory_space<hbm>>
    %dma_start3A_475 = arith.constant 0 : i32
    %dma_start3A_476 = arith.constant 0 : i32
    %dma_start3A_477 = tpu.memref_slice %arg6[%dma_start3A_464, %dma_start3A_475, %dma_start3A_476] : memref<3x16x2048xf32, #tpu.memory_space<vmem>> -> memref<1x16x2048xf32, #tpu.memory_space<vmem>>
    %dma_start3A_478 = tpu.memref_squeeze %dma_start3A_477 : memref<1x16x2048xf32, #tpu.memory_space<vmem>> -> memref<16x2048xf32, #tpu.memory_space<vmem>>
    tpu.enqueue_dma source(%dma_start3A_478 : memref<16x2048xf32, #tpu.memory_space<vmem>>) target(%dma_start3A_474 : memref<16x2048xf32, #tpu.memory_space<hbm>>) target_semaphore(%arg8 : memref<!tpu.dma_semaphore, #tpu.memory_space<semaphore_mem>>)
    %dma_wait3A_479 = arith.constant 1 : i32
    %dma_wait3A_480 = arith.constant 0 : i32
    %dma_wait3A_481 = arith.constant 0 : i32
    %dma_wait3A_482 = tpu.memref_slice %arg6[%dma_wait3A_479, %dma_wait3A_480, %dma_wait3A_481] : memref<3x16x2048xf32, #tpu.memory_space<vmem>> -> memref<1x16x2048xf32, #tpu.memory_space<vmem>>
    %dma_wait3A_483 = tpu.memref_squeeze %dma_wait3A_482 : memref<1x16x2048xf32, #tpu.memory_space<vmem>> -> memref<16x2048xf32, #tpu.memory_space<vmem>>
    %dma_wait3A_484 = arith.constant 0 : i32
    %dma_wait3A_485 = tpu.memref_slice %arg4[%select_n3A, %add3A_411, %dma_wait3A_484] : memref<4x2048x2048xf32, #tpu.memory_space<hbm>> -> memref<1x16x2048xf32, #tpu.memory_space<hbm>>
    %dma_wait3A_486 = tpu.memref_squeeze %dma_wait3A_485 : memref<1x16x2048xf32, #tpu.memory_space<hbm>> -> memref<16x2048xf32, #tpu.memory_space<hbm>>
    %dma_wait3A_487 = arith.constant 0 : i32
    %dma_wait3A_488 = tpu.memref_slice %arg4[%select_n3A, %add3A_411, %dma_wait3A_487] : memref<4x2048x2048xf32, #tpu.memory_space<hbm>> -> memref<1x16x2048xf32, #tpu.memory_space<hbm>>
    %dma_wait3A_489 = tpu.memref_squeeze %dma_wait3A_488 : memref<1x16x2048xf32, #tpu.memory_space<hbm>> -> memref<16x2048xf32, #tpu.memory_space<hbm>>
    %dma_wait3A_490 = arith.constant 0 : i32
    %dma_wait3A_491 = arith.constant 0 : i32
    %dma_wait3A_492 = tpu.memref_slice %arg6[%dma_wait3A_479, %dma_wait3A_490, %dma_wait3A_491] : memref<3x16x2048xf32, #tpu.memory_space<vmem>> -> memref<1x16x2048xf32, #tpu.memory_space<vmem>>
    %dma_wait3A_493 = tpu.memref_squeeze %dma_wait3A_492 : memref<1x16x2048xf32, #tpu.memory_space<vmem>> -> memref<16x2048xf32, #tpu.memory_space<vmem>>
    tpu.wait_dma2 semaphore(%arg8 : memref<!tpu.dma_semaphore, #tpu.memory_space<semaphore_mem>>) src(%dma_wait3A_493 : memref<16x2048xf32, #tpu.memory_space<vmem>>) dst(%dma_wait3A_489 : memref<16x2048xf32, #tpu.memory_space<hbm>>)
    %dma_start3A_494 = arith.constant 1 : i32
    %dma_start3A_495 = arith.constant 0 : i32
    %dma_start3A_496 = arith.constant 0 : i32
    %dma_start3A_497 = tpu.memref_slice %arg6[%dma_start3A_494, %dma_start3A_495, %dma_start3A_496] : memref<3x16x2048xf32, #tpu.memory_space<vmem>> -> memref<1x16x2048xf32, #tpu.memory_space<vmem>>
    %dma_start3A_498 = tpu.memref_squeeze %dma_start3A_497 : memref<1x16x2048xf32, #tpu.memory_space<vmem>> -> memref<16x2048xf32, #tpu.memory_space<vmem>>
    %dma_start3A_499 = arith.constant 160 : i32
    %dma_start3A_500 = tpu.memref_slice %arg5[%dma_start3A_499] : memref<256xi32, #tpu.memory_space<vmem>> -> memref<16xi32, #tpu.memory_space<vmem>>
    %dma_start3A_501 = arith.constant 0 : i32
    %dma_start3A_502 = arith.constant 0 : i32
    %dma_start3A_503 = tpu.memref_slice %arg3[%dma_start3A_501, %dma_start3A_502] : memref<100000x2048xf32, #tpu.memory_space<hbm>> -> memref<100000x2048xf32, #tpu.memory_space<hbm>>
    tpu.enqueue_indirect_dma source(%dma_start3A_503 : memref<100000x2048xf32, #tpu.memory_space<hbm>>) target(%dma_start3A_498 : memref<16x2048xf32, #tpu.memory_space<vmem>>) offsets(%dma_start3A_500 : memref<16xi32, #tpu.memory_space<vmem>>) semaphore(%arg7 : memref<!tpu.dma_semaphore, #tpu.memory_space<semaphore_mem>>)
    %dma_wait3A_504 = arith.constant 0 : i32
    %dma_wait3A_505 = arith.constant 0 : i32
    %dma_wait3A_506 = arith.constant 0 : i32
    %dma_wait3A_507 = tpu.memref_slice %arg6[%dma_wait3A_504, %dma_wait3A_505, %dma_wait3A_506] : memref<3x16x2048xf32, #tpu.memory_space<vmem>> -> memref<1x16x2048xf32, #tpu.memory_space<vmem>>
    %dma_wait3A_508 = tpu.memref_squeeze %dma_wait3A_507 : memref<1x16x2048xf32, #tpu.memory_space<vmem>> -> memref<16x2048xf32, #tpu.memory_space<vmem>>
    %dma_wait3A_509 = arith.constant 144 : i32
    %dma_wait3A_510 = tpu.memref_slice %arg5[%dma_wait3A_509] : memref<256xi32, #tpu.memory_space<vmem>> -> memref<16xi32, #tpu.memory_space<vmem>>
    %dma_wait3A_511 = arith.constant 0 : i32
    %dma_wait3A_512 = arith.constant 0 : i32
    %dma_wait3A_513 = tpu.memref_slice %arg3[%dma_wait3A_511, %dma_wait3A_512] : memref<100000x2048xf32, #tpu.memory_space<hbm>> -> memref<100000x2048xf32, #tpu.memory_space<hbm>>
    tpu.wait_indirect_dma semaphore(%arg7 : memref<!tpu.dma_semaphore, #tpu.memory_space<semaphore_mem>>) src(%dma_wait3A_513 : memref<100000x2048xf32, #tpu.memory_space<hbm>>) dst(%dma_wait3A_508 : memref<16x2048xf32, #tpu.memory_space<vmem>>)
    %add3A_514 = arith.constant 144 : i32
    %add3A_515 = arith.addi %mul3A_32, %add3A_514 : i32
    %dma_start3A_516 = arith.constant 0 : i32
    %dma_start3A_517 = arith.constant 0 : i32
    %dma_start3A_518 = arith.constant 0 : i32
    %dma_start3A_519 = tpu.memref_slice %arg6[%dma_start3A_516, %dma_start3A_517, %dma_start3A_518] : memref<3x16x2048xf32, #tpu.memory_space<vmem>> -> memref<1x16x2048xf32, #tpu.memory_space<vmem>>
    %dma_start3A_520 = tpu.memref_squeeze %dma_start3A_519 : memref<1x16x2048xf32, #tpu.memory_space<vmem>> -> memref<16x2048xf32, #tpu.memory_space<vmem>>
    %dma_start3A_521 = arith.constant 0 : i32
    %dma_start3A_522 = tpu.memref_slice %arg4[%select_n3A, %add3A_515, %dma_start3A_521] : memref<4x2048x2048xf32, #tpu.memory_space<hbm>> -> memref<1x16x2048xf32, #tpu.memory_space<hbm>>
    %dma_start3A_523 = tpu.memref_squeeze %dma_start3A_522 : memref<1x16x2048xf32, #tpu.memory_space<hbm>> -> memref<16x2048xf32, #tpu.memory_space<hbm>>
    %dma_start3A_524 = arith.constant 0 : i32
    %dma_start3A_525 = tpu.memref_slice %arg4[%select_n3A, %add3A_515, %dma_start3A_524] : memref<4x2048x2048xf32, #tpu.memory_space<hbm>> -> memref<1x16x2048xf32, #tpu.memory_space<hbm>>
    %dma_start3A_526 = tpu.memref_squeeze %dma_start3A_525 : memref<1x16x2048xf32, #tpu.memory_space<hbm>> -> memref<16x2048xf32, #tpu.memory_space<hbm>>
    %dma_start3A_527 = arith.constant 0 : i32
    %dma_start3A_528 = arith.constant 0 : i32
    %dma_start3A_529 = tpu.memref_slice %arg6[%dma_start3A_516, %dma_start3A_527, %dma_start3A_528] : memref<3x16x2048xf32, #tpu.memory_space<vmem>> -> memref<1x16x2048xf32, #tpu.memory_space<vmem>>
    %dma_start3A_530 = tpu.memref_squeeze %dma_start3A_529 : memref<1x16x2048xf32, #tpu.memory_space<vmem>> -> memref<16x2048xf32, #tpu.memory_space<vmem>>
    tpu.enqueue_dma source(%dma_start3A_530 : memref<16x2048xf32, #tpu.memory_space<vmem>>) target(%dma_start3A_526 : memref<16x2048xf32, #tpu.memory_space<hbm>>) target_semaphore(%arg8 : memref<!tpu.dma_semaphore, #tpu.memory_space<semaphore_mem>>)
    %dma_wait3A_531 = arith.constant 2 : i32
    %dma_wait3A_532 = arith.constant 0 : i32
    %dma_wait3A_533 = arith.constant 0 : i32
    %dma_wait3A_534 = tpu.memref_slice %arg6[%dma_wait3A_531, %dma_wait3A_532, %dma_wait3A_533] : memref<3x16x2048xf32, #tpu.memory_space<vmem>> -> memref<1x16x2048xf32, #tpu.memory_space<vmem>>
    %dma_wait3A_535 = tpu.memref_squeeze %dma_wait3A_534 : memref<1x16x2048xf32, #tpu.memory_space<vmem>> -> memref<16x2048xf32, #tpu.memory_space<vmem>>
    %dma_wait3A_536 = arith.constant 0 : i32
    %dma_wait3A_537 = tpu.memref_slice %arg4[%select_n3A, %add3A_463, %dma_wait3A_536] : memref<4x2048x2048xf32, #tpu.memory_space<hbm>> -> memref<1x16x2048xf32, #tpu.memory_space<hbm>>
    %dma_wait3A_538 = tpu.memref_squeeze %dma_wait3A_537 : memref<1x16x2048xf32, #tpu.memory_space<hbm>> -> memref<16x2048xf32, #tpu.memory_space<hbm>>
    %dma_wait3A_539 = arith.constant 0 : i32
    %dma_wait3A_540 = tpu.memref_slice %arg4[%select_n3A, %add3A_463, %dma_wait3A_539] : memref<4x2048x2048xf32, #tpu.memory_space<hbm>> -> memref<1x16x2048xf32, #tpu.memory_space<hbm>>
    %dma_wait3A_541 = tpu.memref_squeeze %dma_wait3A_540 : memref<1x16x2048xf32, #tpu.memory_space<hbm>> -> memref<16x2048xf32, #tpu.memory_space<hbm>>
    %dma_wait3A_542 = arith.constant 0 : i32
    %dma_wait3A_543 = arith.constant 0 : i32
    %dma_wait3A_544 = tpu.memref_slice %arg6[%dma_wait3A_531, %dma_wait3A_542, %dma_wait3A_543] : memref<3x16x2048xf32, #tpu.memory_space<vmem>> -> memref<1x16x2048xf32, #tpu.memory_space<vmem>>
    %dma_wait3A_545 = tpu.memref_squeeze %dma_wait3A_544 : memref<1x16x2048xf32, #tpu.memory_space<vmem>> -> memref<16x2048xf32, #tpu.memory_space<vmem>>
    tpu.wait_dma2 semaphore(%arg8 : memref<!tpu.dma_semaphore, #tpu.memory_space<semaphore_mem>>) src(%dma_wait3A_545 : memref<16x2048xf32, #tpu.memory_space<vmem>>) dst(%dma_wait3A_541 : memref<16x2048xf32, #tpu.memory_space<hbm>>)
    %dma_start3A_546 = arith.constant 2 : i32
    %dma_start3A_547 = arith.constant 0 : i32
    %dma_start3A_548 = arith.constant 0 : i32
    %dma_start3A_549 = tpu.memref_slice %arg6[%dma_start3A_546, %dma_start3A_547, %dma_start3A_548] : memref<3x16x2048xf32, #tpu.memory_space<vmem>> -> memref<1x16x2048xf32, #tpu.memory_space<vmem>>
    %dma_start3A_550 = tpu.memref_squeeze %dma_start3A_549 : memref<1x16x2048xf32, #tpu.memory_space<vmem>> -> memref<16x2048xf32, #tpu.memory_space<vmem>>
    %dma_start3A_551 = arith.constant 176 : i32
    %dma_start3A_552 = tpu.memref_slice %arg5[%dma_start3A_551] : memref<256xi32, #tpu.memory_space<vmem>> -> memref<16xi32, #tpu.memory_space<vmem>>
    %dma_start3A_553 = arith.constant 0 : i32
    %dma_start3A_554 = arith.constant 0 : i32
    %dma_start3A_555 = tpu.memref_slice %arg3[%dma_start3A_553, %dma_start3A_554] : memref<100000x2048xf32, #tpu.memory_space<hbm>> -> memref<100000x2048xf32, #tpu.memory_space<hbm>>
    tpu.enqueue_indirect_dma source(%dma_start3A_555 : memref<100000x2048xf32, #tpu.memory_space<hbm>>) target(%dma_start3A_550 : memref<16x2048xf32, #tpu.memory_space<vmem>>) offsets(%dma_start3A_552 : memref<16xi32, #tpu.memory_space<vmem>>) semaphore(%arg7 : memref<!tpu.dma_semaphore, #tpu.memory_space<semaphore_mem>>)
    %dma_wait3A_556 = arith.constant 1 : i32
    %dma_wait3A_557 = arith.constant 0 : i32
    %dma_wait3A_558 = arith.constant 0 : i32
    %dma_wait3A_559 = tpu.memref_slice %arg6[%dma_wait3A_556, %dma_wait3A_557, %dma_wait3A_558] : memref<3x16x2048xf32, #tpu.memory_space<vmem>> -> memref<1x16x2048xf32, #tpu.memory_space<vmem>>
    %dma_wait3A_560 = tpu.memref_squeeze %dma_wait3A_559 : memref<1x16x2048xf32, #tpu.memory_space<vmem>> -> memref<16x2048xf32, #tpu.memory_space<vmem>>
    %dma_wait3A_561 = arith.constant 160 : i32
    %dma_wait3A_562 = tpu.memref_slice %arg5[%dma_wait3A_561] : memref<256xi32, #tpu.memory_space<vmem>> -> memref<16xi32, #tpu.memory_space<vmem>>
    %dma_wait3A_563 = arith.constant 0 : i32
    %dma_wait3A_564 = arith.constant 0 : i32
    %dma_wait3A_565 = tpu.memref_slice %arg3[%dma_wait3A_563, %dma_wait3A_564] : memref<100000x2048xf32, #tpu.memory_space<hbm>> -> memref<100000x2048xf32, #tpu.memory_space<hbm>>
    tpu.wait_indirect_dma semaphore(%arg7 : memref<!tpu.dma_semaphore, #tpu.memory_space<semaphore_mem>>) src(%dma_wait3A_565 : memref<100000x2048xf32, #tpu.memory_space<hbm>>) dst(%dma_wait3A_560 : memref<16x2048xf32, #tpu.memory_space<vmem>>)
    %add3A_566 = arith.constant 160 : i32
    %add3A_567 = arith.addi %mul3A_32, %add3A_566 : i32
    %dma_start3A_568 = arith.constant 1 : i32
    %dma_start3A_569 = arith.constant 0 : i32
    %dma_start3A_570 = arith.constant 0 : i32
    %dma_start3A_571 = tpu.memref_slice %arg6[%dma_start3A_568, %dma_start3A_569, %dma_start3A_570] : memref<3x16x2048xf32, #tpu.memory_space<vmem>> -> memref<1x16x2048xf32, #tpu.memory_space<vmem>>
    %dma_start3A_572 = tpu.memref_squeeze %dma_start3A_571 : memref<1x16x2048xf32, #tpu.memory_space<vmem>> -> memref<16x2048xf32, #tpu.memory_space<vmem>>
    %dma_start3A_573 = arith.constant 0 : i32
    %dma_start3A_574 = tpu.memref_slice %arg4[%select_n3A, %add3A_567, %dma_start3A_573] : memref<4x2048x2048xf32, #tpu.memory_space<hbm>> -> memref<1x16x2048xf32, #tpu.memory_space<hbm>>
    %dma_start3A_575 = tpu.memref_squeeze %dma_start3A_574 : memref<1x16x2048xf32, #tpu.memory_space<hbm>> -> memref<16x2048xf32, #tpu.memory_space<hbm>>
    %dma_start3A_576 = arith.constant 0 : i32
    %dma_start3A_577 = tpu.memref_slice %arg4[%select_n3A, %add3A_567, %dma_start3A_576] : memref<4x2048x2048xf32, #tpu.memory_space<hbm>> -> memref<1x16x2048xf32, #tpu.memory_space<hbm>>
    %dma_start3A_578 = tpu.memref_squeeze %dma_start3A_577 : memref<1x16x2048xf32, #tpu.memory_space<hbm>> -> memref<16x2048xf32, #tpu.memory_space<hbm>>
    %dma_start3A_579 = arith.constant 0 : i32
    %dma_start3A_580 = arith.constant 0 : i32
    %dma_start3A_581 = tpu.memref_slice %arg6[%dma_start3A_568, %dma_start3A_579, %dma_start3A_580] : memref<3x16x2048xf32, #tpu.memory_space<vmem>> -> memref<1x16x2048xf32, #tpu.memory_space<vmem>>
    %dma_start3A_582 = tpu.memref_squeeze %dma_start3A_581 : memref<1x16x2048xf32, #tpu.memory_space<vmem>> -> memref<16x2048xf32, #tpu.memory_space<vmem>>
    tpu.enqueue_dma source(%dma_start3A_582 : memref<16x2048xf32, #tpu.memory_space<vmem>>) target(%dma_start3A_578 : memref<16x2048xf32, #tpu.memory_space<hbm>>) target_semaphore(%arg8 : memref<!tpu.dma_semaphore, #tpu.memory_space<semaphore_mem>>)
    %dma_wait3A_583 = arith.constant 0 : i32
    %dma_wait3A_584 = arith.constant 0 : i32
    %dma_wait3A_585 = arith.constant 0 : i32
    %dma_wait3A_586 = tpu.memref_slice %arg6[%dma_wait3A_583, %dma_wait3A_584, %dma_wait3A_585] : memref<3x16x2048xf32, #tpu.memory_space<vmem>> -> memref<1x16x2048xf32, #tpu.memory_space<vmem>>
    %dma_wait3A_587 = tpu.memref_squeeze %dma_wait3A_586 : memref<1x16x2048xf32, #tpu.memory_space<vmem>> -> memref<16x2048xf32, #tpu.memory_space<vmem>>
    %dma_wait3A_588 = arith.constant 0 : i32
    %dma_wait3A_589 = tpu.memref_slice %arg4[%select_n3A, %add3A_515, %dma_wait3A_588] : memref<4x2048x2048xf32, #tpu.memory_space<hbm>> -> memref<1x16x2048xf32, #tpu.memory_space<hbm>>
    %dma_wait3A_590 = tpu.memref_squeeze %dma_wait3A_589 : memref<1x16x2048xf32, #tpu.memory_space<hbm>> -> memref<16x2048xf32, #tpu.memory_space<hbm>>
    %dma_wait3A_591 = arith.constant 0 : i32
    %dma_wait3A_592 = tpu.memref_slice %arg4[%select_n3A, %add3A_515, %dma_wait3A_591] : memref<4x2048x2048xf32, #tpu.memory_space<hbm>> -> memref<1x16x2048xf32, #tpu.memory_space<hbm>>
    %dma_wait3A_593 = tpu.memref_squeeze %dma_wait3A_592 : memref<1x16x2048xf32, #tpu.memory_space<hbm>> -> memref<16x2048xf32, #tpu.memory_space<hbm>>
    %dma_wait3A_594 = arith.constant 0 : i32
    %dma_wait3A_595 = arith.constant 0 : i32
    %dma_wait3A_596 = tpu.memref_slice %arg6[%dma_wait3A_583, %dma_wait3A_594, %dma_wait3A_595] : memref<3x16x2048xf32, #tpu.memory_space<vmem>> -> memref<1x16x2048xf32, #tpu.memory_space<vmem>>
    %dma_wait3A_597 = tpu.memref_squeeze %dma_wait3A_596 : memref<1x16x2048xf32, #tpu.memory_space<vmem>> -> memref<16x2048xf32, #tpu.memory_space<vmem>>
    tpu.wait_dma2 semaphore(%arg8 : memref<!tpu.dma_semaphore, #tpu.memory_space<semaphore_mem>>) src(%dma_wait3A_597 : memref<16x2048xf32, #tpu.memory_space<vmem>>) dst(%dma_wait3A_593 : memref<16x2048xf32, #tpu.memory_space<hbm>>)
    %dma_start3A_598 = arith.constant 0 : i32
    %dma_start3A_599 = arith.constant 0 : i32
    %dma_start3A_600 = arith.constant 0 : i32
    %dma_start3A_601 = tpu.memref_slice %arg6[%dma_start3A_598, %dma_start3A_599, %dma_start3A_600] : memref<3x16x2048xf32, #tpu.memory_space<vmem>> -> memref<1x16x2048xf32, #tpu.memory_space<vmem>>
    %dma_start3A_602 = tpu.memref_squeeze %dma_start3A_601 : memref<1x16x2048xf32, #tpu.memory_space<vmem>> -> memref<16x2048xf32, #tpu.memory_space<vmem>>
    %dma_start3A_603 = arith.constant 192 : i32
    %dma_start3A_604 = tpu.memref_slice %arg5[%dma_start3A_603] : memref<256xi32, #tpu.memory_space<vmem>> -> memref<16xi32, #tpu.memory_space<vmem>>
    %dma_start3A_605 = arith.constant 0 : i32
    %dma_start3A_606 = arith.constant 0 : i32
    %dma_start3A_607 = tpu.memref_slice %arg3[%dma_start3A_605, %dma_start3A_606] : memref<100000x2048xf32, #tpu.memory_space<hbm>> -> memref<100000x2048xf32, #tpu.memory_space<hbm>>
    tpu.enqueue_indirect_dma source(%dma_start3A_607 : memref<100000x2048xf32, #tpu.memory_space<hbm>>) target(%dma_start3A_602 : memref<16x2048xf32, #tpu.memory_space<vmem>>) offsets(%dma_start3A_604 : memref<16xi32, #tpu.memory_space<vmem>>) semaphore(%arg7 : memref<!tpu.dma_semaphore, #tpu.memory_space<semaphore_mem>>)
    %dma_wait3A_608 = arith.constant 2 : i32
    %dma_wait3A_609 = arith.constant 0 : i32
    %dma_wait3A_610 = arith.constant 0 : i32
    %dma_wait3A_611 = tpu.memref_slice %arg6[%dma_wait3A_608, %dma_wait3A_609, %dma_wait3A_610] : memref<3x16x2048xf32, #tpu.memory_space<vmem>> -> memref<1x16x2048xf32, #tpu.memory_space<vmem>>
    %dma_wait3A_612 = tpu.memref_squeeze %dma_wait3A_611 : memref<1x16x2048xf32, #tpu.memory_space<vmem>> -> memref<16x2048xf32, #tpu.memory_space<vmem>>
    %dma_wait3A_613 = arith.constant 176 : i32
    %dma_wait3A_614 = tpu.memref_slice %arg5[%dma_wait3A_613] : memref<256xi32, #tpu.memory_space<vmem>> -> memref<16xi32, #tpu.memory_space<vmem>>
    %dma_wait3A_615 = arith.constant 0 : i32
    %dma_wait3A_616 = arith.constant 0 : i32
    %dma_wait3A_617 = tpu.memref_slice %arg3[%dma_wait3A_615, %dma_wait3A_616] : memref<100000x2048xf32, #tpu.memory_space<hbm>> -> memref<100000x2048xf32, #tpu.memory_space<hbm>>
    tpu.wait_indirect_dma semaphore(%arg7 : memref<!tpu.dma_semaphore, #tpu.memory_space<semaphore_mem>>) src(%dma_wait3A_617 : memref<100000x2048xf32, #tpu.memory_space<hbm>>) dst(%dma_wait3A_612 : memref<16x2048xf32, #tpu.memory_space<vmem>>)
    %add3A_618 = arith.constant 176 : i32
    %add3A_619 = arith.addi %mul3A_32, %add3A_618 : i32
    %dma_start3A_620 = arith.constant 2 : i32
    %dma_start3A_621 = arith.constant 0 : i32
    %dma_start3A_622 = arith.constant 0 : i32
    %dma_start3A_623 = tpu.memref_slice %arg6[%dma_start3A_620, %dma_start3A_621, %dma_start3A_622] : memref<3x16x2048xf32, #tpu.memory_space<vmem>> -> memref<1x16x2048xf32, #tpu.memory_space<vmem>>
    %dma_start3A_624 = tpu.memref_squeeze %dma_start3A_623 : memref<1x16x2048xf32, #tpu.memory_space<vmem>> -> memref<16x2048xf32, #tpu.memory_space<vmem>>
    %dma_start3A_625 = arith.constant 0 : i32
    %dma_start3A_626 = tpu.memref_slice %arg4[%select_n3A, %add3A_619, %dma_start3A_625] : memref<4x2048x2048xf32, #tpu.memory_space<hbm>> -> memref<1x16x2048xf32, #tpu.memory_space<hbm>>
    %dma_start3A_627 = tpu.memref_squeeze %dma_start3A_626 : memref<1x16x2048xf32, #tpu.memory_space<hbm>> -> memref<16x2048xf32, #tpu.memory_space<hbm>>
    %dma_start3A_628 = arith.constant 0 : i32
    %dma_start3A_629 = tpu.memref_slice %arg4[%select_n3A, %add3A_619, %dma_start3A_628] : memref<4x2048x2048xf32, #tpu.memory_space<hbm>> -> memref<1x16x2048xf32, #tpu.memory_space<hbm>>
    %dma_start3A_630 = tpu.memref_squeeze %dma_start3A_629 : memref<1x16x2048xf32, #tpu.memory_space<hbm>> -> memref<16x2048xf32, #tpu.memory_space<hbm>>
    %dma_start3A_631 = arith.constant 0 : i32
    %dma_start3A_632 = arith.constant 0 : i32
    %dma_start3A_633 = tpu.memref_slice %arg6[%dma_start3A_620, %dma_start3A_631, %dma_start3A_632] : memref<3x16x2048xf32, #tpu.memory_space<vmem>> -> memref<1x16x2048xf32, #tpu.memory_space<vmem>>
    %dma_start3A_634 = tpu.memref_squeeze %dma_start3A_633 : memref<1x16x2048xf32, #tpu.memory_space<vmem>> -> memref<16x2048xf32, #tpu.memory_space<vmem>>
    tpu.enqueue_dma source(%dma_start3A_634 : memref<16x2048xf32, #tpu.memory_space<vmem>>) target(%dma_start3A_630 : memref<16x2048xf32, #tpu.memory_space<hbm>>) target_semaphore(%arg8 : memref<!tpu.dma_semaphore, #tpu.memory_space<semaphore_mem>>)
    %dma_wait3A_635 = arith.constant 1 : i32
    %dma_wait3A_636 = arith.constant 0 : i32
    %dma_wait3A_637 = arith.constant 0 : i32
    %dma_wait3A_638 = tpu.memref_slice %arg6[%dma_wait3A_635, %dma_wait3A_636, %dma_wait3A_637] : memref<3x16x2048xf32, #tpu.memory_space<vmem>> -> memref<1x16x2048xf32, #tpu.memory_space<vmem>>
    %dma_wait3A_639 = tpu.memref_squeeze %dma_wait3A_638 : memref<1x16x2048xf32, #tpu.memory_space<vmem>> -> memref<16x2048xf32, #tpu.memory_space<vmem>>
    %dma_wait3A_640 = arith.constant 0 : i32
    %dma_wait3A_641 = tpu.memref_slice %arg4[%select_n3A, %add3A_567, %dma_wait3A_640] : memref<4x2048x2048xf32, #tpu.memory_space<hbm>> -> memref<1x16x2048xf32, #tpu.memory_space<hbm>>
    %dma_wait3A_642 = tpu.memref_squeeze %dma_wait3A_641 : memref<1x16x2048xf32, #tpu.memory_space<hbm>> -> memref<16x2048xf32, #tpu.memory_space<hbm>>
    %dma_wait3A_643 = arith.constant 0 : i32
    %dma_wait3A_644 = tpu.memref_slice %arg4[%select_n3A, %add3A_567, %dma_wait3A_643] : memref<4x2048x2048xf32, #tpu.memory_space<hbm>> -> memref<1x16x2048xf32, #tpu.memory_space<hbm>>
    %dma_wait3A_645 = tpu.memref_squeeze %dma_wait3A_644 : memref<1x16x2048xf32, #tpu.memory_space<hbm>> -> memref<16x2048xf32, #tpu.memory_space<hbm>>
    %dma_wait3A_646 = arith.constant 0 : i32
    %dma_wait3A_647 = arith.constant 0 : i32
    %dma_wait3A_648 = tpu.memref_slice %arg6[%dma_wait3A_635, %dma_wait3A_646, %dma_wait3A_647] : memref<3x16x2048xf32, #tpu.memory_space<vmem>> -> memref<1x16x2048xf32, #tpu.memory_space<vmem>>
    %dma_wait3A_649 = tpu.memref_squeeze %dma_wait3A_648 : memref<1x16x2048xf32, #tpu.memory_space<vmem>> -> memref<16x2048xf32, #tpu.memory_space<vmem>>
    tpu.wait_dma2 semaphore(%arg8 : memref<!tpu.dma_semaphore, #tpu.memory_space<semaphore_mem>>) src(%dma_wait3A_649 : memref<16x2048xf32, #tpu.memory_space<vmem>>) dst(%dma_wait3A_645 : memref<16x2048xf32, #tpu.memory_space<hbm>>)
    %dma_start3A_650 = arith.constant 1 : i32
    %dma_start3A_651 = arith.constant 0 : i32
    %dma_start3A_652 = arith.constant 0 : i32
    %dma_start3A_653 = tpu.memref_slice %arg6[%dma_start3A_650, %dma_start3A_651, %dma_start3A_652] : memref<3x16x2048xf32, #tpu.memory_space<vmem>> -> memref<1x16x2048xf32, #tpu.memory_space<vmem>>
    %dma_start3A_654 = tpu.memref_squeeze %dma_start3A_653 : memref<1x16x2048xf32, #tpu.memory_space<vmem>> -> memref<16x2048xf32, #tpu.memory_space<vmem>>
    %dma_start3A_655 = arith.constant 208 : i32
    %dma_start3A_656 = tpu.memref_slice %arg5[%dma_start3A_655] : memref<256xi32, #tpu.memory_space<vmem>> -> memref<16xi32, #tpu.memory_space<vmem>>
    %dma_start3A_657 = arith.constant 0 : i32
    %dma_start3A_658 = arith.constant 0 : i32
    %dma_start3A_659 = tpu.memref_slice %arg3[%dma_start3A_657, %dma_start3A_658] : memref<100000x2048xf32, #tpu.memory_space<hbm>> -> memref<100000x2048xf32, #tpu.memory_space<hbm>>
    tpu.enqueue_indirect_dma source(%dma_start3A_659 : memref<100000x2048xf32, #tpu.memory_space<hbm>>) target(%dma_start3A_654 : memref<16x2048xf32, #tpu.memory_space<vmem>>) offsets(%dma_start3A_656 : memref<16xi32, #tpu.memory_space<vmem>>) semaphore(%arg7 : memref<!tpu.dma_semaphore, #tpu.memory_space<semaphore_mem>>)
    %dma_wait3A_660 = arith.constant 0 : i32
    %dma_wait3A_661 = arith.constant 0 : i32
    %dma_wait3A_662 = arith.constant 0 : i32
    %dma_wait3A_663 = tpu.memref_slice %arg6[%dma_wait3A_660, %dma_wait3A_661, %dma_wait3A_662] : memref<3x16x2048xf32, #tpu.memory_space<vmem>> -> memref<1x16x2048xf32, #tpu.memory_space<vmem>>
    %dma_wait3A_664 = tpu.memref_squeeze %dma_wait3A_663 : memref<1x16x2048xf32, #tpu.memory_space<vmem>> -> memref<16x2048xf32, #tpu.memory_space<vmem>>
    %dma_wait3A_665 = arith.constant 192 : i32
    %dma_wait3A_666 = tpu.memref_slice %arg5[%dma_wait3A_665] : memref<256xi32, #tpu.memory_space<vmem>> -> memref<16xi32, #tpu.memory_space<vmem>>
    %dma_wait3A_667 = arith.constant 0 : i32
    %dma_wait3A_668 = arith.constant 0 : i32
    %dma_wait3A_669 = tpu.memref_slice %arg3[%dma_wait3A_667, %dma_wait3A_668] : memref<100000x2048xf32, #tpu.memory_space<hbm>> -> memref<100000x2048xf32, #tpu.memory_space<hbm>>
    tpu.wait_indirect_dma semaphore(%arg7 : memref<!tpu.dma_semaphore, #tpu.memory_space<semaphore_mem>>) src(%dma_wait3A_669 : memref<100000x2048xf32, #tpu.memory_space<hbm>>) dst(%dma_wait3A_664 : memref<16x2048xf32, #tpu.memory_space<vmem>>)
    %add3A_670 = arith.constant 192 : i32
    %add3A_671 = arith.addi %mul3A_32, %add3A_670 : i32
    %dma_start3A_672 = arith.constant 0 : i32
    %dma_start3A_673 = arith.constant 0 : i32
    %dma_start3A_674 = arith.constant 0 : i32
    %dma_start3A_675 = tpu.memref_slice %arg6[%dma_start3A_672, %dma_start3A_673, %dma_start3A_674] : memref<3x16x2048xf32, #tpu.memory_space<vmem>> -> memref<1x16x2048xf32, #tpu.memory_space<vmem>>
    %dma_start3A_676 = tpu.memref_squeeze %dma_start3A_675 : memref<1x16x2048xf32, #tpu.memory_space<vmem>> -> memref<16x2048xf32, #tpu.memory_space<vmem>>
    %dma_start3A_677 = arith.constant 0 : i32
    %dma_start3A_678 = tpu.memref_slice %arg4[%select_n3A, %add3A_671, %dma_start3A_677] : memref<4x2048x2048xf32, #tpu.memory_space<hbm>> -> memref<1x16x2048xf32, #tpu.memory_space<hbm>>
    %dma_start3A_679 = tpu.memref_squeeze %dma_start3A_678 : memref<1x16x2048xf32, #tpu.memory_space<hbm>> -> memref<16x2048xf32, #tpu.memory_space<hbm>>
    %dma_start3A_680 = arith.constant 0 : i32
    %dma_start3A_681 = tpu.memref_slice %arg4[%select_n3A, %add3A_671, %dma_start3A_680] : memref<4x2048x2048xf32, #tpu.memory_space<hbm>> -> memref<1x16x2048xf32, #tpu.memory_space<hbm>>
    %dma_start3A_682 = tpu.memref_squeeze %dma_start3A_681 : memref<1x16x2048xf32, #tpu.memory_space<hbm>> -> memref<16x2048xf32, #tpu.memory_space<hbm>>
    %dma_start3A_683 = arith.constant 0 : i32
    %dma_start3A_684 = arith.constant 0 : i32
    %dma_start3A_685 = tpu.memref_slice %arg6[%dma_start3A_672, %dma_start3A_683, %dma_start3A_684] : memref<3x16x2048xf32, #tpu.memory_space<vmem>> -> memref<1x16x2048xf32, #tpu.memory_space<vmem>>
    %dma_start3A_686 = tpu.memref_squeeze %dma_start3A_685 : memref<1x16x2048xf32, #tpu.memory_space<vmem>> -> memref<16x2048xf32, #tpu.memory_space<vmem>>
    tpu.enqueue_dma source(%dma_start3A_686 : memref<16x2048xf32, #tpu.memory_space<vmem>>) target(%dma_start3A_682 : memref<16x2048xf32, #tpu.memory_space<hbm>>) target_semaphore(%arg8 : memref<!tpu.dma_semaphore, #tpu.memory_space<semaphore_mem>>)
    %dma_wait3A_687 = arith.constant 2 : i32
    %dma_wait3A_688 = arith.constant 0 : i32
    %dma_wait3A_689 = arith.constant 0 : i32
    %dma_wait3A_690 = tpu.memref_slice %arg6[%dma_wait3A_687, %dma_wait3A_688, %dma_wait3A_689] : memref<3x16x2048xf32, #tpu.memory_space<vmem>> -> memref<1x16x2048xf32, #tpu.memory_space<vmem>>
    %dma_wait3A_691 = tpu.memref_squeeze %dma_wait3A_690 : memref<1x16x2048xf32, #tpu.memory_space<vmem>> -> memref<16x2048xf32, #tpu.memory_space<vmem>>
    %dma_wait3A_692 = arith.constant 0 : i32
    %dma_wait3A_693 = tpu.memref_slice %arg4[%select_n3A, %add3A_619, %dma_wait3A_692] : memref<4x2048x2048xf32, #tpu.memory_space<hbm>> -> memref<1x16x2048xf32, #tpu.memory_space<hbm>>
    %dma_wait3A_694 = tpu.memref_squeeze %dma_wait3A_693 : memref<1x16x2048xf32, #tpu.memory_space<hbm>> -> memref<16x2048xf32, #tpu.memory_space<hbm>>
    %dma_wait3A_695 = arith.constant 0 : i32
    %dma_wait3A_696 = tpu.memref_slice %arg4[%select_n3A, %add3A_619, %dma_wait3A_695] : memref<4x2048x2048xf32, #tpu.memory_space<hbm>> -> memref<1x16x2048xf32, #tpu.memory_space<hbm>>
    %dma_wait3A_697 = tpu.memref_squeeze %dma_wait3A_696 : memref<1x16x2048xf32, #tpu.memory_space<hbm>> -> memref<16x2048xf32, #tpu.memory_space<hbm>>
    %dma_wait3A_698 = arith.constant 0 : i32
    %dma_wait3A_699 = arith.constant 0 : i32
    %dma_wait3A_700 = tpu.memref_slice %arg6[%dma_wait3A_687, %dma_wait3A_698, %dma_wait3A_699] : memref<3x16x2048xf32, #tpu.memory_space<vmem>> -> memref<1x16x2048xf32, #tpu.memory_space<vmem>>
    %dma_wait3A_701 = tpu.memref_squeeze %dma_wait3A_700 : memref<1x16x2048xf32, #tpu.memory_space<vmem>> -> memref<16x2048xf32, #tpu.memory_space<vmem>>
    tpu.wait_dma2 semaphore(%arg8 : memref<!tpu.dma_semaphore, #tpu.memory_space<semaphore_mem>>) src(%dma_wait3A_701 : memref<16x2048xf32, #tpu.memory_space<vmem>>) dst(%dma_wait3A_697 : memref<16x2048xf32, #tpu.memory_space<hbm>>)
    %dma_start3A_702 = arith.constant 2 : i32
    %dma_start3A_703 = arith.constant 0 : i32
    %dma_start3A_704 = arith.constant 0 : i32
    %dma_start3A_705 = tpu.memref_slice %arg6[%dma_start3A_702, %dma_start3A_703, %dma_start3A_704] : memref<3x16x2048xf32, #tpu.memory_space<vmem>> -> memref<1x16x2048xf32, #tpu.memory_space<vmem>>
    %dma_start3A_706 = tpu.memref_squeeze %dma_start3A_705 : memref<1x16x2048xf32, #tpu.memory_space<vmem>> -> memref<16x2048xf32, #tpu.memory_space<vmem>>
    %dma_start3A_707 = arith.constant 224 : i32
    %dma_start3A_708 = tpu.memref_slice %arg5[%dma_start3A_707] : memref<256xi32, #tpu.memory_space<vmem>> -> memref<16xi32, #tpu.memory_space<vmem>>
    %dma_start3A_709 = arith.constant 0 : i32
    %dma_start3A_710 = arith.constant 0 : i32
    %dma_start3A_711 = tpu.memref_slice %arg3[%dma_start3A_709, %dma_start3A_710] : memref<100000x2048xf32, #tpu.memory_space<hbm>> -> memref<100000x2048xf32, #tpu.memory_space<hbm>>
    tpu.enqueue_indirect_dma source(%dma_start3A_711 : memref<100000x2048xf32, #tpu.memory_space<hbm>>) target(%dma_start3A_706 : memref<16x2048xf32, #tpu.memory_space<vmem>>) offsets(%dma_start3A_708 : memref<16xi32, #tpu.memory_space<vmem>>) semaphore(%arg7 : memref<!tpu.dma_semaphore, #tpu.memory_space<semaphore_mem>>)
    %dma_wait3A_712 = arith.constant 1 : i32
    %dma_wait3A_713 = arith.constant 0 : i32
    %dma_wait3A_714 = arith.constant 0 : i32
    %dma_wait3A_715 = tpu.memref_slice %arg6[%dma_wait3A_712, %dma_wait3A_713, %dma_wait3A_714] : memref<3x16x2048xf32, #tpu.memory_space<vmem>> -> memref<1x16x2048xf32, #tpu.memory_space<vmem>>
    %dma_wait3A_716 = tpu.memref_squeeze %dma_wait3A_715 : memref<1x16x2048xf32, #tpu.memory_space<vmem>> -> memref<16x2048xf32, #tpu.memory_space<vmem>>
    %dma_wait3A_717 = arith.constant 208 : i32
    %dma_wait3A_718 = tpu.memref_slice %arg5[%dma_wait3A_717] : memref<256xi32, #tpu.memory_space<vmem>> -> memref<16xi32, #tpu.memory_space<vmem>>
    %dma_wait3A_719 = arith.constant 0 : i32
    %dma_wait3A_720 = arith.constant 0 : i32
    %dma_wait3A_721 = tpu.memref_slice %arg3[%dma_wait3A_719, %dma_wait3A_720] : memref<100000x2048xf32, #tpu.memory_space<hbm>> -> memref<100000x2048xf32, #tpu.memory_space<hbm>>
    tpu.wait_indirect_dma semaphore(%arg7 : memref<!tpu.dma_semaphore, #tpu.memory_space<semaphore_mem>>) src(%dma_wait3A_721 : memref<100000x2048xf32, #tpu.memory_space<hbm>>) dst(%dma_wait3A_716 : memref<16x2048xf32, #tpu.memory_space<vmem>>)
    %add3A_722 = arith.constant 208 : i32
    %add3A_723 = arith.addi %mul3A_32, %add3A_722 : i32
    %dma_start3A_724 = arith.constant 1 : i32
    %dma_start3A_725 = arith.constant 0 : i32
    %dma_start3A_726 = arith.constant 0 : i32
    %dma_start3A_727 = tpu.memref_slice %arg6[%dma_start3A_724, %dma_start3A_725, %dma_start3A_726] : memref<3x16x2048xf32, #tpu.memory_space<vmem>> -> memref<1x16x2048xf32, #tpu.memory_space<vmem>>
    %dma_start3A_728 = tpu.memref_squeeze %dma_start3A_727 : memref<1x16x2048xf32, #tpu.memory_space<vmem>> -> memref<16x2048xf32, #tpu.memory_space<vmem>>
    %dma_start3A_729 = arith.constant 0 : i32
    %dma_start3A_730 = tpu.memref_slice %arg4[%select_n3A, %add3A_723, %dma_start3A_729] : memref<4x2048x2048xf32, #tpu.memory_space<hbm>> -> memref<1x16x2048xf32, #tpu.memory_space<hbm>>
    %dma_start3A_731 = tpu.memref_squeeze %dma_start3A_730 : memref<1x16x2048xf32, #tpu.memory_space<hbm>> -> memref<16x2048xf32, #tpu.memory_space<hbm>>
    %dma_start3A_732 = arith.constant 0 : i32
    %dma_start3A_733 = tpu.memref_slice %arg4[%select_n3A, %add3A_723, %dma_start3A_732] : memref<4x2048x2048xf32, #tpu.memory_space<hbm>> -> memref<1x16x2048xf32, #tpu.memory_space<hbm>>
    %dma_start3A_734 = tpu.memref_squeeze %dma_start3A_733 : memref<1x16x2048xf32, #tpu.memory_space<hbm>> -> memref<16x2048xf32, #tpu.memory_space<hbm>>
    %dma_start3A_735 = arith.constant 0 : i32
    %dma_start3A_736 = arith.constant 0 : i32
    %dma_start3A_737 = tpu.memref_slice %arg6[%dma_start3A_724, %dma_start3A_735, %dma_start3A_736] : memref<3x16x2048xf32, #tpu.memory_space<vmem>> -> memref<1x16x2048xf32, #tpu.memory_space<vmem>>
    %dma_start3A_738 = tpu.memref_squeeze %dma_start3A_737 : memref<1x16x2048xf32, #tpu.memory_space<vmem>> -> memref<16x2048xf32, #tpu.memory_space<vmem>>
    tpu.enqueue_dma source(%dma_start3A_738 : memref<16x2048xf32, #tpu.memory_space<vmem>>) target(%dma_start3A_734 : memref<16x2048xf32, #tpu.memory_space<hbm>>) target_semaphore(%arg8 : memref<!tpu.dma_semaphore, #tpu.memory_space<semaphore_mem>>)
    %dma_wait3A_739 = arith.constant 0 : i32
    %dma_wait3A_740 = arith.constant 0 : i32
    %dma_wait3A_741 = arith.constant 0 : i32
    %dma_wait3A_742 = tpu.memref_slice %arg6[%dma_wait3A_739, %dma_wait3A_740, %dma_wait3A_741] : memref<3x16x2048xf32, #tpu.memory_space<vmem>> -> memref<1x16x2048xf32, #tpu.memory_space<vmem>>
    %dma_wait3A_743 = tpu.memref_squeeze %dma_wait3A_742 : memref<1x16x2048xf32, #tpu.memory_space<vmem>> -> memref<16x2048xf32, #tpu.memory_space<vmem>>
    %dma_wait3A_744 = arith.constant 0 : i32
    %dma_wait3A_745 = tpu.memref_slice %arg4[%select_n3A, %add3A_671, %dma_wait3A_744] : memref<4x2048x2048xf32, #tpu.memory_space<hbm>> -> memref<1x16x2048xf32, #tpu.memory_space<hbm>>
    %dma_wait3A_746 = tpu.memref_squeeze %dma_wait3A_745 : memref<1x16x2048xf32, #tpu.memory_space<hbm>> -> memref<16x2048xf32, #tpu.memory_space<hbm>>
    %dma_wait3A_747 = arith.constant 0 : i32
    %dma_wait3A_748 = tpu.memref_slice %arg4[%select_n3A, %add3A_671, %dma_wait3A_747] : memref<4x2048x2048xf32, #tpu.memory_space<hbm>> -> memref<1x16x2048xf32, #tpu.memory_space<hbm>>
    %dma_wait3A_749 = tpu.memref_squeeze %dma_wait3A_748 : memref<1x16x2048xf32, #tpu.memory_space<hbm>> -> memref<16x2048xf32, #tpu.memory_space<hbm>>
    %dma_wait3A_750 = arith.constant 0 : i32
    %dma_wait3A_751 = arith.constant 0 : i32
    %dma_wait3A_752 = tpu.memref_slice %arg6[%dma_wait3A_739, %dma_wait3A_750, %dma_wait3A_751] : memref<3x16x2048xf32, #tpu.memory_space<vmem>> -> memref<1x16x2048xf32, #tpu.memory_space<vmem>>
    %dma_wait3A_753 = tpu.memref_squeeze %dma_wait3A_752 : memref<1x16x2048xf32, #tpu.memory_space<vmem>> -> memref<16x2048xf32, #tpu.memory_space<vmem>>
    tpu.wait_dma2 semaphore(%arg8 : memref<!tpu.dma_semaphore, #tpu.memory_space<semaphore_mem>>) src(%dma_wait3A_753 : memref<16x2048xf32, #tpu.memory_space<vmem>>) dst(%dma_wait3A_749 : memref<16x2048xf32, #tpu.memory_space<hbm>>)
    %dma_start3A_754 = arith.constant 0 : i32
    %dma_start3A_755 = arith.constant 0 : i32
    %dma_start3A_756 = arith.constant 0 : i32
    %dma_start3A_757 = tpu.memref_slice %arg6[%dma_start3A_754, %dma_start3A_755, %dma_start3A_756] : memref<3x16x2048xf32, #tpu.memory_space<vmem>> -> memref<1x16x2048xf32, #tpu.memory_space<vmem>>
    %dma_start3A_758 = tpu.memref_squeeze %dma_start3A_757 : memref<1x16x2048xf32, #tpu.memory_space<vmem>> -> memref<16x2048xf32, #tpu.memory_space<vmem>>
    %dma_start3A_759 = arith.constant 240 : i32
    %dma_start3A_760 = tpu.memref_slice %arg5[%dma_start3A_759] : memref<256xi32, #tpu.memory_space<vmem>> -> memref<16xi32, #tpu.memory_space<vmem>>
    %dma_start3A_761 = arith.constant 0 : i32
    %dma_start3A_762 = arith.constant 0 : i32
    %dma_start3A_763 = tpu.memref_slice %arg3[%dma_start3A_761, %dma_start3A_762] : memref<100000x2048xf32, #tpu.memory_space<hbm>> -> memref<100000x2048xf32, #tpu.memory_space<hbm>>
    tpu.enqueue_indirect_dma source(%dma_start3A_763 : memref<100000x2048xf32, #tpu.memory_space<hbm>>) target(%dma_start3A_758 : memref<16x2048xf32, #tpu.memory_space<vmem>>) offsets(%dma_start3A_760 : memref<16xi32, #tpu.memory_space<vmem>>) semaphore(%arg7 : memref<!tpu.dma_semaphore, #tpu.memory_space<semaphore_mem>>)
    %dma_wait3A_764 = arith.constant 2 : i32
    %dma_wait3A_765 = arith.constant 0 : i32
    %dma_wait3A_766 = arith.constant 0 : i32
    %dma_wait3A_767 = tpu.memref_slice %arg6[%dma_wait3A_764, %dma_wait3A_765, %dma_wait3A_766] : memref<3x16x2048xf32, #tpu.memory_space<vmem>> -> memref<1x16x2048xf32, #tpu.memory_space<vmem>>
    %dma_wait3A_768 = tpu.memref_squeeze %dma_wait3A_767 : memref<1x16x2048xf32, #tpu.memory_space<vmem>> -> memref<16x2048xf32, #tpu.memory_space<vmem>>
    %dma_wait3A_769 = arith.constant 224 : i32
    %dma_wait3A_770 = tpu.memref_slice %arg5[%dma_wait3A_769] : memref<256xi32, #tpu.memory_space<vmem>> -> memref<16xi32, #tpu.memory_space<vmem>>
    %dma_wait3A_771 = arith.constant 0 : i32
    %dma_wait3A_772 = arith.constant 0 : i32
    %dma_wait3A_773 = tpu.memref_slice %arg3[%dma_wait3A_771, %dma_wait3A_772] : memref<100000x2048xf32, #tpu.memory_space<hbm>> -> memref<100000x2048xf32, #tpu.memory_space<hbm>>
    tpu.wait_indirect_dma semaphore(%arg7 : memref<!tpu.dma_semaphore, #tpu.memory_space<semaphore_mem>>) src(%dma_wait3A_773 : memref<100000x2048xf32, #tpu.memory_space<hbm>>) dst(%dma_wait3A_768 : memref<16x2048xf32, #tpu.memory_space<vmem>>)
    %add3A_774 = arith.constant 224 : i32
    %add3A_775 = arith.addi %mul3A_32, %add3A_774 : i32
    %dma_start3A_776 = arith.constant 2 : i32
    %dma_start3A_777 = arith.constant 0 : i32
    %dma_start3A_778 = arith.constant 0 : i32
    %dma_start3A_779 = tpu.memref_slice %arg6[%dma_start3A_776, %dma_start3A_777, %dma_start3A_778] : memref<3x16x2048xf32, #tpu.memory_space<vmem>> -> memref<1x16x2048xf32, #tpu.memory_space<vmem>>
    %dma_start3A_780 = tpu.memref_squeeze %dma_start3A_779 : memref<1x16x2048xf32, #tpu.memory_space<vmem>> -> memref<16x2048xf32, #tpu.memory_space<vmem>>
    %dma_start3A_781 = arith.constant 0 : i32
    %dma_start3A_782 = tpu.memref_slice %arg4[%select_n3A, %add3A_775, %dma_start3A_781] : memref<4x2048x2048xf32, #tpu.memory_space<hbm>> -> memref<1x16x2048xf32, #tpu.memory_space<hbm>>
    %dma_start3A_783 = tpu.memref_squeeze %dma_start3A_782 : memref<1x16x2048xf32, #tpu.memory_space<hbm>> -> memref<16x2048xf32, #tpu.memory_space<hbm>>
    %dma_start3A_784 = arith.constant 0 : i32
    %dma_start3A_785 = tpu.memref_slice %arg4[%select_n3A, %add3A_775, %dma_start3A_784] : memref<4x2048x2048xf32, #tpu.memory_space<hbm>> -> memref<1x16x2048xf32, #tpu.memory_space<hbm>>
    %dma_start3A_786 = tpu.memref_squeeze %dma_start3A_785 : memref<1x16x2048xf32, #tpu.memory_space<hbm>> -> memref<16x2048xf32, #tpu.memory_space<hbm>>
    %dma_start3A_787 = arith.constant 0 : i32
    %dma_start3A_788 = arith.constant 0 : i32
    %dma_start3A_789 = tpu.memref_slice %arg6[%dma_start3A_776, %dma_start3A_787, %dma_start3A_788] : memref<3x16x2048xf32, #tpu.memory_space<vmem>> -> memref<1x16x2048xf32, #tpu.memory_space<vmem>>
    %dma_start3A_790 = tpu.memref_squeeze %dma_start3A_789 : memref<1x16x2048xf32, #tpu.memory_space<vmem>> -> memref<16x2048xf32, #tpu.memory_space<vmem>>
    tpu.enqueue_dma source(%dma_start3A_790 : memref<16x2048xf32, #tpu.memory_space<vmem>>) target(%dma_start3A_786 : memref<16x2048xf32, #tpu.memory_space<hbm>>) target_semaphore(%arg8 : memref<!tpu.dma_semaphore, #tpu.memory_space<semaphore_mem>>)
    %dma_wait3A_791 = arith.constant 0 : i32
    %dma_wait3A_792 = arith.constant 0 : i32
    %dma_wait3A_793 = arith.constant 0 : i32
    %dma_wait3A_794 = tpu.memref_slice %arg6[%dma_wait3A_791, %dma_wait3A_792, %dma_wait3A_793] : memref<3x16x2048xf32, #tpu.memory_space<vmem>> -> memref<1x16x2048xf32, #tpu.memory_space<vmem>>
    %dma_wait3A_795 = tpu.memref_squeeze %dma_wait3A_794 : memref<1x16x2048xf32, #tpu.memory_space<vmem>> -> memref<16x2048xf32, #tpu.memory_space<vmem>>
    %dma_wait3A_796 = arith.constant 240 : i32
    %dma_wait3A_797 = tpu.memref_slice %arg5[%dma_wait3A_796] : memref<256xi32, #tpu.memory_space<vmem>> -> memref<16xi32, #tpu.memory_space<vmem>>
    %dma_wait3A_798 = arith.constant 0 : i32
    %dma_wait3A_799 = arith.constant 0 : i32
    %dma_wait3A_800 = tpu.memref_slice %arg3[%dma_wait3A_798, %dma_wait3A_799] : memref<100000x2048xf32, #tpu.memory_space<hbm>> -> memref<100000x2048xf32, #tpu.memory_space<hbm>>
    tpu.wait_indirect_dma semaphore(%arg7 : memref<!tpu.dma_semaphore, #tpu.memory_space<semaphore_mem>>) src(%dma_wait3A_800 : memref<100000x2048xf32, #tpu.memory_space<hbm>>) dst(%dma_wait3A_795 : memref<16x2048xf32, #tpu.memory_space<vmem>>)
    %add3A_801 = arith.constant 240 : i32
    %add3A_802 = arith.addi %mul3A_32, %add3A_801 : i32
    %dma_start3A_803 = arith.constant 0 : i32
    %dma_start3A_804 = arith.constant 0 : i32
    %dma_start3A_805 = arith.constant 0 : i32
    %dma_start3A_806 = tpu.memref_slice %arg6[%dma_start3A_803, %dma_start3A_804, %dma_start3A_805] : memref<3x16x2048xf32, #tpu.memory_space<vmem>> -> memref<1x16x2048xf32, #tpu.memory_space<vmem>>
    %dma_start3A_807 = tpu.memref_squeeze %dma_start3A_806 : memref<1x16x2048xf32, #tpu.memory_space<vmem>> -> memref<16x2048xf32, #tpu.memory_space<vmem>>
    %dma_start3A_808 = arith.constant 0 : i32
    %dma_start3A_809 = tpu.memref_slice %arg4[%select_n3A, %add3A_802, %dma_start3A_808] : memref<4x2048x2048xf32, #tpu.memory_space<hbm>> -> memref<1x16x2048xf32, #tpu.memory_space<hbm>>
    %dma_start3A_810 = tpu.memref_squeeze %dma_start3A_809 : memref<1x16x2048xf32, #tpu.memory_space<hbm>> -> memref<16x2048xf32, #tpu.memory_space<hbm>>
    %dma_start3A_811 = arith.constant 0 : i32
    %dma_start3A_812 = tpu.memref_slice %arg4[%select_n3A, %add3A_802, %dma_start3A_811] : memref<4x2048x2048xf32, #tpu.memory_space<hbm>> -> memref<1x16x2048xf32, #tpu.memory_space<hbm>>
    %dma_start3A_813 = tpu.memref_squeeze %dma_start3A_812 : memref<1x16x2048xf32, #tpu.memory_space<hbm>> -> memref<16x2048xf32, #tpu.memory_space<hbm>>
    %dma_start3A_814 = arith.constant 0 : i32
    %dma_start3A_815 = arith.constant 0 : i32
    %dma_start3A_816 = tpu.memref_slice %arg6[%dma_start3A_803, %dma_start3A_814, %dma_start3A_815] : memref<3x16x2048xf32, #tpu.memory_space<vmem>> -> memref<1x16x2048xf32, #tpu.memory_space<vmem>>
    %dma_start3A_817 = tpu.memref_squeeze %dma_start3A_816 : memref<1x16x2048xf32, #tpu.memory_space<vmem>> -> memref<16x2048xf32, #tpu.memory_space<vmem>>
    tpu.enqueue_dma source(%dma_start3A_817 : memref<16x2048xf32, #tpu.memory_space<vmem>>) target(%dma_start3A_813 : memref<16x2048xf32, #tpu.memory_space<hbm>>) target_semaphore(%arg8 : memref<!tpu.dma_semaphore, #tpu.memory_space<semaphore_mem>>)
    %dma_wait3A_818 = arith.constant 1 : i32
    %dma_wait3A_819 = arith.constant 0 : i32
    %dma_wait3A_820 = arith.constant 0 : i32
    %dma_wait3A_821 = tpu.memref_slice %arg6[%dma_wait3A_818, %dma_wait3A_819, %dma_wait3A_820] : memref<3x16x2048xf32, #tpu.memory_space<vmem>> -> memref<1x16x2048xf32, #tpu.memory_space<vmem>>
    %dma_wait3A_822 = tpu.memref_squeeze %dma_wait3A_821 : memref<1x16x2048xf32, #tpu.memory_space<vmem>> -> memref<16x2048xf32, #tpu.memory_space<vmem>>
    %dma_wait3A_823 = arith.constant 0 : i32
    %dma_wait3A_824 = tpu.memref_slice %arg4[%select_n3A, %add3A_723, %dma_wait3A_823] : memref<4x2048x2048xf32, #tpu.memory_space<hbm>> -> memref<1x16x2048xf32, #tpu.memory_space<hbm>>
    %dma_wait3A_825 = tpu.memref_squeeze %dma_wait3A_824 : memref<1x16x2048xf32, #tpu.memory_space<hbm>> -> memref<16x2048xf32, #tpu.memory_space<hbm>>
    %dma_wait3A_826 = arith.constant 0 : i32
    %dma_wait3A_827 = tpu.memref_slice %arg4[%select_n3A, %add3A_723, %dma_wait3A_826] : memref<4x2048x2048xf32, #tpu.memory_space<hbm>> -> memref<1x16x2048xf32, #tpu.memory_space<hbm>>
    %dma_wait3A_828 = tpu.memref_squeeze %dma_wait3A_827 : memref<1x16x2048xf32, #tpu.memory_space<hbm>> -> memref<16x2048xf32, #tpu.memory_space<hbm>>
    %dma_wait3A_829 = arith.constant 0 : i32
    %dma_wait3A_830 = arith.constant 0 : i32
    %dma_wait3A_831 = tpu.memref_slice %arg6[%dma_wait3A_818, %dma_wait3A_829, %dma_wait3A_830] : memref<3x16x2048xf32, #tpu.memory_space<vmem>> -> memref<1x16x2048xf32, #tpu.memory_space<vmem>>
    %dma_wait3A_832 = tpu.memref_squeeze %dma_wait3A_831 : memref<1x16x2048xf32, #tpu.memory_space<vmem>> -> memref<16x2048xf32, #tpu.memory_space<vmem>>
    tpu.wait_dma2 semaphore(%arg8 : memref<!tpu.dma_semaphore, #tpu.memory_space<semaphore_mem>>) src(%dma_wait3A_832 : memref<16x2048xf32, #tpu.memory_space<vmem>>) dst(%dma_wait3A_828 : memref<16x2048xf32, #tpu.memory_space<hbm>>)
    %dma_wait3A_833 = arith.constant 2 : i32
    %dma_wait3A_834 = arith.constant 0 : i32
    %dma_wait3A_835 = arith.constant 0 : i32
    %dma_wait3A_836 = tpu.memref_slice %arg6[%dma_wait3A_833, %dma_wait3A_834, %dma_wait3A_835] : memref<3x16x2048xf32, #tpu.memory_space<vmem>> -> memref<1x16x2048xf32, #tpu.memory_space<vmem>>
    %dma_wait3A_837 = tpu.memref_squeeze %dma_wait3A_836 : memref<1x16x2048xf32, #tpu.memory_space<vmem>> -> memref<16x2048xf32, #tpu.memory_space<vmem>>
    %dma_wait3A_838 = arith.constant 0 : i32
    %dma_wait3A_839 = tpu.memref_slice %arg4[%select_n3A, %add3A_775, %dma_wait3A_838] : memref<4x2048x2048xf32, #tpu.memory_space<hbm>> -> memref<1x16x2048xf32, #tpu.memory_space<hbm>>
    %dma_wait3A_840 = tpu.memref_squeeze %dma_wait3A_839 : memref<1x16x2048xf32, #tpu.memory_space<hbm>> -> memref<16x2048xf32, #tpu.memory_space<hbm>>
    %dma_wait3A_841 = arith.constant 0 : i32
    %dma_wait3A_842 = tpu.memref_slice %arg4[%select_n3A, %add3A_775, %dma_wait3A_841] : memref<4x2048x2048xf32, #tpu.memory_space<hbm>> -> memref<1x16x2048xf32, #tpu.memory_space<hbm>>
    %dma_wait3A_843 = tpu.memref_squeeze %dma_wait3A_842 : memref<1x16x2048xf32, #tpu.memory_space<hbm>> -> memref<16x2048xf32, #tpu.memory_space<hbm>>
    %dma_wait3A_844 = arith.constant 0 : i32
    %dma_wait3A_845 = arith.constant 0 : i32
    %dma_wait3A_846 = tpu.memref_slice %arg6[%dma_wait3A_833, %dma_wait3A_844, %dma_wait3A_845] : memref<3x16x2048xf32, #tpu.memory_space<vmem>> -> memref<1x16x2048xf32, #tpu.memory_space<vmem>>
    %dma_wait3A_847 = tpu.memref_squeeze %dma_wait3A_846 : memref<1x16x2048xf32, #tpu.memory_space<vmem>> -> memref<16x2048xf32, #tpu.memory_space<vmem>>
    tpu.wait_dma2 semaphore(%arg8 : memref<!tpu.dma_semaphore, #tpu.memory_space<semaphore_mem>>) src(%dma_wait3A_847 : memref<16x2048xf32, #tpu.memory_space<vmem>>) dst(%dma_wait3A_843 : memref<16x2048xf32, #tpu.memory_space<hbm>>)
    %dma_wait3A_848 = arith.constant 0 : i32
    %dma_wait3A_849 = arith.constant 0 : i32
    %dma_wait3A_850 = arith.constant 0 : i32
    %dma_wait3A_851 = tpu.memref_slice %arg6[%dma_wait3A_848, %dma_wait3A_849, %dma_wait3A_850] : memref<3x16x2048xf32, #tpu.memory_space<vmem>> -> memref<1x16x2048xf32, #tpu.memory_space<vmem>>
    %dma_wait3A_852 = tpu.memref_squeeze %dma_wait3A_851 : memref<1x16x2048xf32, #tpu.memory_space<vmem>> -> memref<16x2048xf32, #tpu.memory_space<vmem>>
    %dma_wait3A_853 = arith.constant 0 : i32
    %dma_wait3A_854 = tpu.memref_slice %arg4[%select_n3A, %add3A_802, %dma_wait3A_853] : memref<4x2048x2048xf32, #tpu.memory_space<hbm>> -> memref<1x16x2048xf32, #tpu.memory_space<hbm>>
    %dma_wait3A_855 = tpu.memref_squeeze %dma_wait3A_854 : memref<1x16x2048xf32, #tpu.memory_space<hbm>> -> memref<16x2048xf32, #tpu.memory_space<hbm>>
    %dma_wait3A_856 = arith.constant 0 : i32
    %dma_wait3A_857 = tpu.memref_slice %arg4[%select_n3A, %add3A_802, %dma_wait3A_856] : memref<4x2048x2048xf32, #tpu.memory_space<hbm>> -> memref<1x16x2048xf32, #tpu.memory_space<hbm>>
    %dma_wait3A_858 = tpu.memref_squeeze %dma_wait3A_857 : memref<1x16x2048xf32, #tpu.memory_space<hbm>> -> memref<16x2048xf32, #tpu.memory_space<hbm>>
    %dma_wait3A_859 = arith.constant 0 : i32
    %dma_wait3A_860 = arith.constant 0 : i32
    %dma_wait3A_861 = tpu.memref_slice %arg6[%dma_wait3A_848, %dma_wait3A_859, %dma_wait3A_860] : memref<3x16x2048xf32, #tpu.memory_space<vmem>> -> memref<1x16x2048xf32, #tpu.memory_space<vmem>>
    %dma_wait3A_862 = tpu.memref_squeeze %dma_wait3A_861 : memref<1x16x2048xf32, #tpu.memory_space<vmem>> -> memref<16x2048xf32, #tpu.memory_space<vmem>>
    tpu.wait_dma2 semaphore(%arg8 : memref<!tpu.dma_semaphore, #tpu.memory_space<semaphore_mem>>) src(%dma_wait3A_862 : memref<16x2048xf32, #tpu.memory_space<vmem>>) dst(%dma_wait3A_858 : memref<16x2048xf32, #tpu.memory_space<hbm>>)
    return
  }
}

</mosaic_0001>

<sc_bundles>
// kernel: _emb.3.cloned.1.call-start
scs
__scs_entry_jumppad:
0x0: {  	(pc) =	sbr.rel $0x88, $3  }
0x1: {  	(tag) =	ssettag $0x0;
	lr =	simm.s32 $0x1  }
0x2: {  	[smem:$0x3F9F] =	sst lr;
	_ =	strace $0xD0000000  }
0x3: {  	_ = 	snop  }
0x4: {  	_ = 	snop  }
0x5: {  	_ = 	snop  }
0x6: {  	_ = 	snop  }
0x7: {  	_ = 	snop  }
__scs_overlays_trampoline_lowered:
0x8: {  	[smem:$0x3FAE] =	sst s0  }
0x9: {  	[smem:$0x3FAF] =	sst s1  }
0xa: {  	[smem:$0x3FB0] =	sst s2  }
0xb: {  	[smem:$0x3FB1] =	sst s3  }
0xc: {  	[smem:$0x3FB2] =	sst s4  }
0xd: {  	[smem:$0x3FB3] =	sst s5  }
0xe: {  	[smem:$0x3FB4] =	sst s6  }
0xf: {  	[smem:$0x3FB5] =	sst s7  }
0x10: {  	[smem:$0x3FB6] =	sst s8  }
0x11: {  	[smem:$0x3FB7] =	sst s9;
	s0 =	simm.s32 @!p0 $0x0  }
0x12: {  	s1 =	sld [smem:$0x3F9D];
	s0 =	simm.s32 @p0 $0x1  }
0x13: {  	[smem:$0x3FB8] =	sst s0;
	s0 =	simm.s32 @!p1 $0x0  }
0x14: {  	s2 =	sld [smem:$0x3F9C];
	s0 =	simm.s32 @p1 $0x1  }
0x15: {  	[smem:$0x3FB9] =	sst s0;
	s0 =	simm.s32 @!p2 $0x0  }
0x16: {  	s3 =	sld [smem:$0x3FDB];
	s0 =	simm.s32 @p2 $0x1  }
0x17: {  	s4 =	simm.s32 $0x1BF5;
	[smem:$0x3FBB] =	sst s0  }
0x18: {  	s0 =	sld [smem:$0x3F9E];
	_ =	swait.ge [sflag:s4], $0x0  }
0x19: {  	s7 =	sld [smem:$0x3F9F]  }
0x1a: {  	s8 =	sadd.s32 $0xFFFFE003, lr  }
0x1b: {  	s9 =	sadd.s32 $0xFFFFFEF7, lr;
	s5 =	simm.s32 $0xFFFFFFFF;
	p2 =	slt.u32 s8, $0xFFFFF086  }
0x1c: {  	p1 =	slt.u32 s9, $0xF7A;
	s5 =	simm.s32 @!p2 $0x0  }
0x1d: {  	s5 =	simm.s32 @p1 $0x1;
	p0 =	seq.s32 s7, s2  }
0x1e: {  	s7 =	smul.u32 @!p0 $0xF7A, s2;
	p2 =	seq.s32 @!p0 s5, $0x0  }
0x1f: {  	s9 =	smul.u32 $0xF7A, s1;
	s8 =	simm.s32 @!p0 $0x1BF5;
	p2 =	por !p2, p0  }
0x20: {  	[sflag:s8] =	ssyncset.s32 @!p0 $0xFFFFF086;
	s6 =	sadd.s32 @!p0 s3, s7;
	s7 =	simm.s32 @!p0 $0x108  }
0x21: {  	s3 =	sadd.s32 s3, s9;
	s6 =	sadd.s32 @!p0 $0x88, s6;
	s7 =	simm.s32 @p2 $0x1082  }
0x22: {  	[simem:s7], [sflag:s8] =	dma.local @!p0 [hbm:s6], $0xF7A  }
0x23: {  	s9 =	sor.u32 $0xD0000000, s2;
	s6 =	simm.s32 $0x108;
	_ =	swait.ge @!p0 [sflag:s8], $0x0  }
0x24: {  	s3 =	sadd.s32 $0x88, s3;
	s6 =	simm.s32 @!p1 $0x1082;
	[sflag:s4] =	ssyncset.s32 $0xFFFFF086  }
0x25: {  	[simem:s6], [sflag:s4] =	dma.local [hbm:s3], $0xF7A  }
0x26: {  	[smem:$0x3F9F] =	sst s1;
	(tag) =	ssettag s2;
	_ =	strace s9  }
0x27: {  	s1 =	sld [smem:$0x3FAF]  }
0x28: {  	s2 =	sld [smem:$0x3FB0]  }
0x29: {  	s4 =	sld [smem:$0x3FB2]  }
0x2a: {  	p0 =	seq.s32 s5, $0x0;
	s5 =	sld [smem:$0x3FB3]  }
0x2b: {  	s6 =	sld [smem:$0x3FB4]  }
0x2c: {  	s7 =	sld [smem:$0x3FB5]  }
0x2d: {  	s3 =	simm.s32 $0x108;
	s8 =	sld [smem:$0x3FB6]  }
0x2e: {  	s3 =	simm.s32 @!p0 $0x1082;
	s9 =	sld [smem:$0x3FB7]  }
0x2f: {  	lr =	sadd.s32 s0, s3;
	s0 =	sld [smem:$0x3FAE]  }
0x30: {  	s3 =	sld [smem:$0x3FB1]  }
0x31: {  	[smem:$0x3FBA] =	sst s10  }
0x32: {  	s10 =	sld [smem:$0x3FB8];
	_ =	sdelay $0x3  }
0x33: {  	p0 =	seq.s32 s10, $0x1;
	s10 =	sld [smem:$0x3FBA];
	_ =	sdelay $0x3  }
0x34: {  	[smem:$0x3FBA] =	sst s10  }
0x35: {  	s10 =	sld [smem:$0x3FB9];
	_ =	sdelay $0x3  }
0x36: {  	p1 =	seq.s32 s10, $0x1;
	s10 =	sld [smem:$0x3FBA];
	_ =	sdelay $0x3  }
0x37: {  	[smem:$0x3FBA] =	sst s10  }
0x38: {  	s10 =	sld [smem:$0x3FBB]  }
0x39: {  	_ = 	snop;
	(pc) =	sbr.ind lr, $3  }
0x3a: {  	_ = 	snop  }
0x3b: {  	_ = 	snop  }
0x3c: {  	p2 =	seq.s32 s10, $0x1;
	s10 =	sld [smem:$0x3FBA]  }
0x3d: {  	_ =	shalt  }
0x3e: {  	_ =	shalt  }
0x3f: {  	_ =	shalt  }
0x40: {  	_ =	shalt  }
0x41: {  	_ =	shalt  }
0x42: {  	_ =	shalt  }
0x43: {  	_ =	shalt  }
0x44: {  	_ =	shalt  }
0x45: {  	_ =	shalt  }
0x46: {  	_ =	shalt  }
0x47: {  	_ =	shalt  }
0x48: {  	_ =	shalt  }
0x49: {  	_ =	shalt  }
0x4a: {  	_ =	shalt  }
0x4b: {  	_ =	shalt  }
0x4c: {  	_ =	shalt  }
0x4d: {  	_ =	shalt  }
0x4e: {  	_ =	shalt  }
0x4f: {  	_ =	shalt  }
0x50: {  	_ =	shalt  }
0x51: {  	_ =	shalt  }
0x52: {  	_ =	shalt  }
0x53: {  	_ =	shalt  }
0x54: {  	_ =	shalt  }
0x55: {  	_ =	shalt  }
0x56: {  	_ =	shalt  }
0x57: {  	_ =	shalt  }
0x58: {  	_ =	shalt  }
0x59: {  	_ =	shalt  }
0x5a: {  	_ =	shalt  }
0x5b: {  	_ =	shalt  }
0x5c: {  	_ =	shalt  }
0x5d: {  	_ =	shalt  }
0x5e: {  	_ =	shalt  }
0x5f: {  	_ =	shalt  }
0x60: {  	_ =	shalt  }
0x61: {  	_ =	shalt  }
0x62: {  	_ =	shalt  }
0x63: {  	_ =	shalt  }
0x64: {  	_ =	shalt  }
0x65: {  	_ =	shalt  }
0x66: {  	_ =	shalt  }
0x67: {  	_ =	shalt  }
0x68: {  	_ =	shalt  }
0x69: {  	_ =	shalt  }
0x6a: {  	_ =	shalt  }
0x6b: {  	_ =	shalt  }
0x6c: {  	_ =	shalt  }
0x6d: {  	_ =	shalt  }
0x6e: {  	_ =	shalt  }
0x6f: {  	_ =	shalt  }
0x70: {  	_ =	shalt  }
0x71: {  	_ =	shalt  }
0x72: {  	_ =	shalt  }
0x73: {  	_ =	shalt  }
0x74: {  	_ =	shalt  }
0x75: {  	_ =	shalt  }
0x76: {  	_ =	shalt  }
0x77: {  	_ =	shalt  }
0x78: {  	_ =	shalt  }
0x79: {  	_ =	shalt  }
0x7a: {  	_ =	shalt  }
0x7b: {  	_ =	shalt  }
0x7c: {  	_ =	shalt  }
0x7d: {  	_ =	shalt  }
0x7e: {  	_ =	shalt  }
0x7f: {  	_ =	shalt  }
0x80: {  	_ =	shalt  }
0x81: {  	_ =	shalt  }
0x82: {  	_ =	shalt  }
0x83: {  	_ =	shalt  }
0x84: {  	_ =	shalt  }
0x85: {  	_ =	shalt  }
0x86: {  	_ =	shalt  }
0x87: {  	_ =	shalt  }
.Lfunc_end0:
.L_simem_size_0:
called_computation_lowered:
.L_overlay_start_0:
0x88: {  	s2 =	sld [smem:$0x3FD9]  }
0x89: {  	s3 =	sld [smem:$0x3FFE];
	_ =	sdelay $0x1  }
0x8a: {  	s1 =	srdreg.scid  }
0x8b: {  	s0 =	sand.u32 $0x1, s1  }
0x8c: {  	s18 =	sshll.u32 s0, $0xA;
	s2 =	sadd.s32 s3, s2  }
0x8d: {  	s2 =	sadd.s32 s2, s18  }
0x8e: {  	[smem:$0x3FC6] =	sst s2  }
0x8f: {  	_ = 	snop  }
0x90: {  	s2 =	sld [smem:$0x3FC9]  }
0x91: {  	s19 =	sld [smem:$0x3FC8]  }
0x92: {  	s4 =	sld [smem:$0x3FD0];
	(tm) =	ssettm $0x1  }
0x93: {  	s5 =	sld [smem:$0x3FFB];
	_ =	sdelay $0x3  }
0x94: {  	_ =	strace s5  }
0x95: {  	s5 =	sld [smem:$0x3FFC];
	_ =	sdelay $0x3  }
0x96: {  	_ =	strace s5  }
0x97: {  	s5 =	sld [smem:$0x3FFD];
	_ =	sdelay $0x3  }
0x98: {  	_ =	strace s5  }
0x99: {  	_ =	strace $0x8FFFFFFF  }
0x9a: {  	s20 =	sld [smem:$0x3FDB];
	_ =	sdelay $0x1  }
0x9b: {  	s6 =	simm.s32 $_scs_section_size  }
0x9c: {  	s7 =	simm.s32 $_size__tile_overlayer_lowered;
	s8 =	simm.s32 $_tile_overlayer_lowered  }
0x9d: {  	s23 =	simm.s32 $0x1BFF;
	s22 =	sshll.u32 s8, $0x1;
	s5 =	sadd.s32 s6, s20  }
0x9e: {  	s9 =	simm.s32 $0x0;
	s21 =	sshll.u32 s7, $0x1;
	s7 =	sadd.s32 s22, s5  }
0x9f: {  	[timem:s9], [sflag:s23] =	dma.local [hbm:s7], s21  }
0xa0: {  	_ =	swait.ge [sflag:s23], s21  }
0xa1: {  	s6 =	ssub.s32 $0x0, s21;
	[sflag:s23] =	ssyncset.done $0x0  }
0xa2: {  	[sflag:s23] =	ssyncadd.s32 s6;
	_ =	sdelay $0x1  }
0xa3: {  	s24 =	simm.s32 $0x1B8B  }
0xa4: {  	_ =	swait.ge [sflag:s24], $0x1  }
0xa5: {  	[sflag:s24] =	ssyncset.done $0x0  }
0xa6: {  	s25 =	simm.s32 $0x1B8E;
	[sflag:s24] =	ssyncadd.s32 $0xFFFFFFFF  }
0xa7: {  	s26 =	simm.s32 $execute0_lowered;
	[smem:$0x3FD2] =	sst s25  }
0xa8: {  	s6 =	sshll.u32 s26, $0x1;
	_ =	strace $0x80000046;
	[dreg:$0x1] =	wrdreg $0xFFFFFFFF  }
0xa9: {  	s28 =	simm.s32 $_size_execute0_lowered;
	s5 =	sadd.s32 s5, s6;
	[dreg:$0x0] =	wrdreg $0x0  }
0xaa: {  	s6 =	sshll.u32 s28, $0x1;
	[dreg:$0x2] =	wrdreg s5  }
0xab: {  	[dreg:$0x3] =	wrdreg s6  }
0xac: {  	[dreg:$0x4] =	wrdreg $0xC0  }
0xad: {  	_ =	task [dreg:s9], $0x5FFFF  }
0xae: {  	[dreg:$0x1] =	wrdreg $0xFFFFFFFF  }
0xaf: {  	[dreg:$0x0] =	wrdreg $0x60  }
0xb0: {  	[dreg:$0x2] =	wrdreg s2  }
0xb1: {  	[dreg:$0x3] =	wrdreg s19  }
0xb2: {  	[dreg:$0x4] =	wrdreg s4  }
0xb3: {  	[dreg:$0x5] =	wrdreg $0x9  }
0xb4: {  	_ =	task.clear_ibuf [dreg:s9], $0x6FFFF;
	_ =	strace $0x90000046  }
0xb5: {  	s29 =	simm.s32 $0x9;
	_ =	strace $0x80000048  }
0xb6: {  	_ =	swait.ge [sflag:s29], $0x1  }
0xb7: {  	[sflag:s29] =	ssyncadd.s32 $0xFFFFFFFF  }
0xb8: {  	_ =	strace $0x90000048  }
0xb9: {  	_ =	sfence  }
0xba: {  	s30 =	sld [smem:$0x0];
	_ =	sdelay $0x2  }
0xbb: {  	s31 =	sshll.u32 s1, $0xD;
	s1 =	sshrl.u32 s1, $0x2  }
0xbc: {  	s3 =	sand.u32 $0x4000, s31;
	s1 =	sadd.s32 s1, s30  }
0xbd: {  	s0 =	sor.u32 s3, s0;
	s1 =	sshll.u32 s1, $0x11  }
0xbe: {  	s0 =	sor.u32 s1, s0  }
0xbf: {  	s0 =	sadd.s32 $0x8F2B, s0  }
0xc0: {  	[sflag:s0] =	ssyncadd.remote.s32 $0x1  }
0xc1: {  	_ =	sfence.sel $0xFFFF  }
0xc2: {  	[dreg:$0x0] =	wrdreg $0xFFFFFFFF;
	(pc) =	sbr.abs _section_cstart, $3  }
0xc3: {  	[dreg:$0x1] =	wrdreg $0xFFFFFFFF  }
0xc4: {  	_ =	task.clear_ibuf [dreg:s9], $0x2FFFF;
	_ =	strace $0x9FFFFFFF  }
0xc5: {  	(tm) =	ssettm $0x7FFFFFFF  }
tec
execute0_lowered:
.L_overlay_start_1:
0x0: {  	(tag) =	ssettag $0x1  }
0x1: {  	s0 =	rddreg [dreg:$0x0]  }
0x2: {  	s2 =	rddreg [dreg:$0x1]  }
0x3: {  	s1 =	rddreg [dreg:$0x2]  }
0x4: {  	s6 =	stileid.u32;
	s4 =	srdreg.scid;
	s3 =	simm.s32 $0x0  }
0x5: {  	s30 =	simm.s32 $0x80;
	s31 =	simm.s32 $0x200;
	s5 =	sshll.u32 s6, $0x1  }
0x6: {  	s4 =	sand.u32 $0x1, s4;
	[smem:$0x7FF] =	sst s3;
	s6 =	sshrl.u32 s6, $0x2  }
0x7: {  	s5 =	sand.u32 $0x6, s5;
	s8 =	sshll.u32 s6, $0x4;
	s6 =	sshll.u32 s6, $0x13  }
0x8: {  	_ =	strace $0x80000047;
	[dreg:$0x14] =	wrdreg s30;
	s5 =	sor.u32 s4, s5  }
0x9: {  	s0 =	sadd.s32 s0, s8;
	s7 =	sshll.u32 s5, $0x10;
	s5 =	sshll.u32 s5, $0x7  }
0xa: {  	[dreg:$0x15] =	wrdreg s31;
	s6 =	sor.u32 s6, s7;
	s0 =	sadd.s32 s5, s0  }
0xb: {  	s9 =	sadd.s32 s1, s6;
	[dreg:$0x4] =	wrdreg s0  }
0xc: {  	s13 =	sadd.s32 $0x1000, s9;
	[dreg:$0x16] =	wrdreg s9  }
0xd: {  	s14 =	sadd.s32 $0x2000, s9;
	[dreg:$0x5] =	wrdreg s13  }
0xe: {  	s15 =	sadd.s32 $0x3000, s9;
	[dreg:$0x6] =	wrdreg s14  }
0xf: {  	s16 =	sadd.s32 $0x4000, s9;
	[dreg:$0x7] =	wrdreg s15  }
0x10: {  	s17 =	sadd.s32 $0x5000, s9;
	[dreg:$0x8] =	wrdreg s16  }
0x11: {  	s10 =	sadd.s32 $0x600, s2;
	s18 =	sadd.s32 $0x6000, s9;
	[dreg:$0x9] =	wrdreg s17  }
0x12: {  	s11 =	sadd.s32 $0x700, s2;
	s19 =	sadd.s32 $0x7000, s9;
	[dreg:$0xa] =	wrdreg s18  }
0x13: {  	s21 =	ssub.s32 $0x2, s4;
	s20 =	sadd.s32 $0x8000, s9;
	[dreg:$0xb] =	wrdreg s19  }
0x14: {  	s4 =	sshrl.u32 s21, $0x1;
	s22 =	sadd.s32 $0x9000, s9;
	[dreg:$0xc] =	wrdreg s20  }
0x15: {  	s8 =	sadd.s32 $0x400, s2;
	s23 =	sadd.s32 $0xA000, s9;
	[dreg:$0xd] =	wrdreg s22  }
0x16: {  	s5 =	sadd.s32 $0x100, s2;
	s24 =	sadd.s32 $0xB000, s9;
	[dreg:$0xe] =	wrdreg s23  }
0x17: {  	s7 =	sadd.s32 $0x300, s2;
	s25 =	sadd.s32 $0xC000, s9;
	[dreg:$0xf] =	wrdreg s24  }
0x18: {  	s1 =	ssub.s32 s21, s4;
	s26 =	sadd.s32 $0xD000, s9;
	[dreg:$0x10] =	wrdreg s25  }
0x19: {  	s6 =	sadd.s32 $0x200, s2;
	s28 =	sadd.s32 $0xE000, s9;
	[dreg:$0x11] =	wrdreg s26  }
0x1a: {  	v2 =	vlaneseq.u32;
	s4 =	simm.s32 $0x2;
	s29 =	sadd.s32 $0xF000, s9;
	[dreg:$0x12] =	wrdreg s28  }
0x1b: {  	vm0 =	vmmov $0xffff;
	v1 =	vshrl.u32 v2, $0x3;
	s9 =	sadd.s32 $0x500, s2;
	s12 =	smax.u32 s1, $0x1;
	[dreg:$0x13] =	wrdreg s29  }
0x1c: {  	v0 =	vand.u32 $0x7, v2;
	v2 =	vor.u32 $0x8, v2;
	v1 =	vmul.u32 $0x8, v1;
	s17 =	simm.s32 $0x100;
	s13 =	simm.s32 $0x1;
	s14 =	simm.s32 $0x10100  }
.LBB2_1:
0x1d: {  	s1 =	rddreg [dreg:$0x4]  }
0x1e: {  	s15 =	rddreg [dreg:$0x14]  }
0x1f: {  	s16 =	rddreg [dreg:$0x15];
	s28 =	simm.s32 $0x3  }
0x20: {  	[tilespmem:s3], [sflag:$0x3] =	stream.strided.gather [hbm4b:s1+s15], $0x100, s16, s15, $0x38;
	[tilespmem:$0x18100] =	vst v63  }
0x21: {  	_ =	swait.ge [sflag:s28], $0x100  }
0x22: {  	[sflag:s28] =	ssyncset.done $0x0  }
0x23: {  	[sflag:s28] =	ssyncadd.s32 $0xFFFFFF00  }
0x24: {  	v3 =	vld [tilespmem:$0x0];
	_ =	sdelay $0x4  }
0x25: {  	v4 =	vshll.u32 v3, $0x4  }
0x26: {  	v3 =	vand.u32 $0x7, v3;
	v4 =	vand.u32 $0xFFFFFF80, v4  }
0x27: {  	v3 =	vor.u32 v3, v4  }
0x28: {  	v4 =	vperm.xlane v3, v0;
	_ =	sdelay $0x1  }
0x29: {  	v4 =	vadd.s32 v1, v4;
	_ =	sdelay $0x4  }
0x2a: {  	[tilespmem:s17], [sflag:$0x1] =	stream.indirect_vreg.gather [hbm4b:s2+s3], $0x80, v4, vm0, $0xb8;
	[tilespmem:$0x18100] =	vst v63  }
0x2b: {  	s29 =	simm.s32 $0x900  }
0x2c: {  	[tilespmem:s29], [sflag:$0x1] =	stream.indirect_vreg.gather [hbm4b:s5+s3], $0x80, v4, vm0, $0xb8;
	[tilespmem:$0x18100] =	vst v63  }
0x2d: {  	s30 =	simm.s32 $0x1100  }
0x2e: {  	[tilespmem:s30], [sflag:$0x1] =	stream.indirect_vreg.gather [hbm4b:s6+s3], $0x80, v4, vm0, $0xb8;
	[tilespmem:$0x18100] =	vst v63  }
0x2f: {  	s0 =	simm.s32 $0x1900  }
0x30: {  	[tilespmem:s0], [sflag:$0x1] =	stream.indirect_vreg.gather [hbm4b:s7+s3], $0x80, v4, vm0, $0xb8;
	[tilespmem:$0x18100] =	vst v63  }
0x31: {  	s15 =	simm.s32 $0x2100  }
0x32: {  	[tilespmem:s15], [sflag:$0x1] =	stream.indirect_vreg.gather [hbm4b:s8+s3], $0x80, v4, vm0, $0xb8;
	[tilespmem:$0x18100] =	vst v63  }
0x33: {  	s19 =	simm.s32 $0x2900;
	v3 =	vperm.xlane v3, v2  }
0x34: {  	[tilespmem:s19], [sflag:$0x1] =	stream.indirect_vreg.gather [hbm4b:s9+s3], $0x80, v4, vm0, $0xb8;
	[tilespmem:$0x18100] =	vst v63  }
0x35: {  	s20 =	simm.s32 $0x3100;
	v3 =	vadd.s32 v1, v3  }
0x36: {  	[tilespmem:s20], [sflag:$0x1] =	stream.indirect_vreg.gather [hbm4b:s10+s3], $0x80, v4, vm0, $0xb8;
	[tilespmem:$0x18100] =	vst v63  }
0x37: {  	s21 =	simm.s32 $0x3900  }
0x38: {  	[tilespmem:s21], [sflag:$0x1] =	stream.indirect_vreg.gather [hbm4b:s11+s3], $0x80, v4, vm0, $0xb8;
	[tilespmem:$0x18100] =	vst v63  }
0x39: {  	s22 =	simm.s32 $0x4100  }
0x3a: {  	[tilespmem:s22], [sflag:$0x1] =	stream.indirect_vreg.gather [hbm4b:s2+s3], $0x80, v3, vm0, $0xb8;
	[tilespmem:$0x18100] =	vst v63  }
0x3b: {  	s23 =	simm.s32 $0x4900  }
0x3c: {  	[tilespmem:s23], [sflag:$0x1] =	stream.indirect_vreg.gather [hbm4b:s5+s3], $0x80, v3, vm0, $0xb8;
	[tilespmem:$0x18100] =	vst v63  }
0x3d: {  	s24 =	simm.s32 $0x5100  }
0x3e: {  	[tilespmem:s24], [sflag:$0x1] =	stream.indirect_vreg.gather [hbm4b:s6+s3], $0x80, v3, vm0, $0xb8;
	[tilespmem:$0x18100] =	vst v63  }
0x3f: {  	s25 =	simm.s32 $0x5900  }
0x40: {  	[tilespmem:s25], [sflag:$0x1] =	stream.indirect_vreg.gather [hbm4b:s7+s3], $0x80, v3, vm0, $0xb8;
	[tilespmem:$0x18100] =	vst v63  }
0x41: {  	s26 =	simm.s32 $0x6100  }
0x42: {  	[tilespmem:s26], [sflag:$0x1] =	stream.indirect_vreg.gather [hbm4b:s8+s3], $0x80, v3, vm0, $0xb8;
	[tilespmem:$0x18100] =	vst v63  }
0x43: {  	s28 =	simm.s32 $0x6900  }
0x44: {  	[tilespmem:s28], [sflag:$0x1] =	stream.indirect_vreg.gather [hbm4b:s9+s3], $0x80, v3, vm0, $0xb8;
	[tilespmem:$0x18100] =	vst v63  }
0x45: {  	s0 =	simm.s32 $0x7100  }
0x46: {  	[tilespmem:s0], [sflag:$0x1] =	stream.indirect_vreg.gather [hbm4b:s10+s3], $0x80, v3, vm0, $0xb8;
	[tilespmem:$0x18100] =	vst v63  }
0x47: {  	s15 =	simm.s32 $0x7900  }
0x48: {  	[tilespmem:s15], [sflag:$0x1] =	stream.indirect_vreg.gather [hbm4b:s11+s3], $0x80, v3, vm0, $0xb8;
	[tilespmem:$0x18100] =	vst v63  }
0x49: {  	v3 =	vld [tilespmem:$0x10];
	_ =	sdelay $0x4  }
0x4a: {  	v49 =	vshll.u32 v3, $0x4  }
0x4b: {  	v3 =	vand.u32 $0x7, v3;
	v4 =	vand.u32 $0xFFFFFF80, v49  }
0x4c: {  	v3 =	vor.u32 v3, v4  }
0x4d: {  	v4 =	vperm.xlane v3, v0;
	_ =	sdelay $0x1  }
0x4e: {  	v4 =	vadd.s32 v1, v4;
	_ =	sdelay $0x3  }
0x4f: {  	s0 =	simm.s32 $0x8100  }
0x50: {  	[tilespmem:s0], [sflag:$0x1] =	stream.indirect_vreg.gather [hbm4b:s2+s3], $0x80, v4, vm0, $0xb8;
	[tilespmem:$0x18100] =	vst v63  }
0x51: {  	s1 =	simm.s32 $0x8900  }
0x52: {  	[tilespmem:s1], [sflag:$0x1] =	stream.indirect_vreg.gather [hbm4b:s5+s3], $0x80, v4, vm0, $0xb8;
	[tilespmem:$0x18100] =	vst v63  }
0x53: {  	s1 =	simm.s32 $0x9100  }
0x54: {  	[tilespmem:s1], [sflag:$0x1] =	stream.indirect_vreg.gather [hbm4b:s6+s3], $0x80, v4, vm0, $0xb8;
	[tilespmem:$0x18100] =	vst v63  }
0x55: {  	s1 =	simm.s32 $0x9900  }
0x56: {  	[tilespmem:s1], [sflag:$0x1] =	stream.indirect_vreg.gather [hbm4b:s7+s3], $0x80, v4, vm0, $0xb8;
	[tilespmem:$0x18100] =	vst v63  }
0x57: {  	s1 =	simm.s32 $0xA100  }
0x58: {  	[tilespmem:s1], [sflag:$0x1] =	stream.indirect_vreg.gather [hbm4b:s8+s3], $0x80, v4, vm0, $0xb8;
	[tilespmem:$0x18100] =	vst v63  }
0x59: {  	v3 =	vperm.xlane v3, v2;
	s1 =	simm.s32 $0xA900  }
0x5a: {  	[tilespmem:s1], [sflag:$0x1] =	stream.indirect_vreg.gather [hbm4b:s9+s3], $0x80, v4, vm0, $0xb8;
	[tilespmem:$0x18100] =	vst v63  }
0x5b: {  	v3 =	vadd.s32 v1, v3;
	s1 =	simm.s32 $0xB100  }
0x5c: {  	[tilespmem:s1], [sflag:$0x1] =	stream.indirect_vreg.gather [hbm4b:s10+s3], $0x80, v4, vm0, $0xb8;
	[tilespmem:$0x18100] =	vst v63  }
0x5d: {  	s1 =	simm.s32 $0xB900  }
0x5e: {  	[tilespmem:s1], [sflag:$0x1] =	stream.indirect_vreg.gather [hbm4b:s11+s3], $0x80, v4, vm0, $0xb8;
	[tilespmem:$0x18100] =	vst v63  }
0x5f: {  	s1 =	simm.s32 $0xC100  }
0x60: {  	[tilespmem:s1], [sflag:$0x1] =	stream.indirect_vreg.gather [hbm4b:s2+s3], $0x80, v3, vm0, $0xb8;
	[tilespmem:$0x18100] =	vst v63  }
0x61: {  	s1 =	simm.s32 $0xC900  }
0x62: {  	[tilespmem:s1], [sflag:$0x1] =	stream.indirect_vreg.gather [hbm4b:s5+s3], $0x80, v3, vm0, $0xb8;
	[tilespmem:$0x18100] =	vst v63  }
0x63: {  	s1 =	simm.s32 $0xD100  }
0x64: {  	[tilespmem:s1], [sflag:$0x1] =	stream.indirect_vreg.gather [hbm4b:s6+s3], $0x80, v3, vm0, $0xb8;
	[tilespmem:$0x18100] =	vst v63  }
0x65: {  	s1 =	simm.s32 $0xD900  }
0x66: {  	[tilespmem:s1], [sflag:$0x1] =	stream.indirect_vreg.gather [hbm4b:s7+s3], $0x80, v3, vm0, $0xb8;
	[tilespmem:$0x18100] =	vst v63  }
0x67: {  	s1 =	simm.s32 $0xE100  }
0x68: {  	[tilespmem:s1], [sflag:$0x1] =	stream.indirect_vreg.gather [hbm4b:s8+s3], $0x80, v3, vm0, $0xb8;
	[tilespmem:$0x18100] =	vst v63  }
0x69: {  	s1 =	simm.s32 $0xE900  }
0x6a: {  	[tilespmem:s1], [sflag:$0x1] =	stream.indirect_vreg.gather [hbm4b:s9+s3], $0x80, v3, vm0, $0xb8;
	[tilespmem:$0x18100] =	vst v63  }
0x6b: {  	s1 =	simm.s32 $0xF100  }
0x6c: {  	[tilespmem:s1], [sflag:$0x1] =	stream.indirect_vreg.gather [hbm4b:s10+s3], $0x80, v3, vm0, $0xb8;
	[tilespmem:$0x18100] =	vst v63  }
0x6d: {  	s1 =	simm.s32 $0xF900  }
0x6e: {  	[tilespmem:s1], [sflag:$0x1] =	stream.indirect_vreg.gather [hbm4b:s11+s3], $0x80, v3, vm0, $0xb8;
	[tilespmem:$0x18100] =	vst v63  }
0x6f: {  	_ =	swait.ge [sflag:s13], $0x8000  }
0x70: {  	[sflag:s13] =	ssyncset.done $0x0  }
0x71: {  	s1 =	rddreg [dreg:$0x16];
	[sflag:s13] =	ssyncadd.s32 $0xFFFF8000  }
0x72: {  	[hbm4b:s1+s3] =	stream.linear.scatter [tilespmem:s17], [sflag:$0x2], $0x8000, $0x38;
	[tilespmem:$0x18100] =	vst v63  }
0x73: {  	v3 =	vld [tilespmem:$0x20];
	_ =	sdelay $0x4  }
0x74: {  	v50 =	vshll.u32 v3, $0x4  }
0x75: {  	v3 =	vand.u32 $0x7, v3;
	v4 =	vand.u32 $0xFFFFFF80, v50  }
0x76: {  	v3 =	vor.u32 v3, v4  }
0x77: {  	v4 =	vperm.xlane v3, v0;
	_ =	sdelay $0x1  }
0x78: {  	v4 =	vadd.s32 v1, v4;
	_ =	sdelay $0x4  }
0x79: {  	[tilespmem:s14], [sflag:$0x1] =	stream.indirect_vreg.gather [hbm4b:s2+s3], $0x80, v4, vm0, $0xb8;
	[tilespmem:$0x18100] =	vst v63  }
0x7a: {  	s1 =	simm.s32 $0x10900  }
0x7b: {  	[tilespmem:s1], [sflag:$0x1] =	stream.indirect_vreg.gather [hbm4b:s5+s3], $0x80, v4, vm0, $0xb8;
	[tilespmem:$0x18100] =	vst v63  }
0x7c: {  	s1 =	simm.s32 $0x11100  }
0x7d: {  	[tilespmem:s1], [sflag:$0x1] =	stream.indirect_vreg.gather [hbm4b:s6+s3], $0x80, v4, vm0, $0xb8;
	[tilespmem:$0x18100] =	vst v63  }
0x7e: {  	s1 =	simm.s32 $0x11900  }
0x7f: {  	[tilespmem:s1], [sflag:$0x1] =	stream.indirect_vreg.gather [hbm4b:s7+s3], $0x80, v4, vm0, $0xb8;
	[tilespmem:$0x18100] =	vst v63  }
0x80: {  	s1 =	simm.s32 $0x12100  }
0x81: {  	[tilespmem:s1], [sflag:$0x1] =	stream.indirect_vreg.gather [hbm4b:s8+s3], $0x80, v4, vm0, $0xb8;
	[tilespmem:$0x18100] =	vst v63  }
0x82: {  	v3 =	vperm.xlane v3, v2;
	s1 =	simm.s32 $0x12900  }
0x83: {  	[tilespmem:s1], [sflag:$0x1] =	stream.indirect_vreg.gather [hbm4b:s9+s3], $0x80, v4, vm0, $0xb8;
	[tilespmem:$0x18100] =	vst v63  }
0x84: {  	v3 =	vadd.s32 v1, v3;
	s1 =	simm.s32 $0x13100  }
0x85: {  	[tilespmem:s1], [sflag:$0x1] =	stream.indirect_vreg.gather [hbm4b:s10+s3], $0x80, v4, vm0, $0xb8;
	[tilespmem:$0x18100] =	vst v63  }
0x86: {  	s1 =	simm.s32 $0x13900  }
0x87: {  	[tilespmem:s1], [sflag:$0x1] =	stream.indirect_vreg.gather [hbm4b:s11+s3], $0x80, v4, vm0, $0xb8;
	[tilespmem:$0x18100] =	vst v63  }
0x88: {  	s1 =	simm.s32 $0x14100  }
0x89: {  	[tilespmem:s1], [sflag:$0x1] =	stream.indirect_vreg.gather [hbm4b:s2+s3], $0x80, v3, vm0, $0xb8;
	[tilespmem:$0x18100] =	vst v63  }
0x8a: {  	s1 =	simm.s32 $0x14900  }
0x8b: {  	[tilespmem:s1], [sflag:$0x1] =	stream.indirect_vreg.gather [hbm4b:s5+s3], $0x80, v3, vm0, $0xb8;
	[tilespmem:$0x18100] =	vst v63  }
0x8c: {  	s1 =	simm.s32 $0x15100  }
0x8d: {  	[tilespmem:s1], [sflag:$0x1] =	stream.indirect_vreg.gather [hbm4b:s6+s3], $0x80, v3, vm0, $0xb8;
	[tilespmem:$0x18100] =	vst v63  }
0x8e: {  	s1 =	simm.s32 $0x15900  }
0x8f: {  	[tilespmem:s1], [sflag:$0x1] =	stream.indirect_vreg.gather [hbm4b:s7+s3], $0x80, v3, vm0, $0xb8;
	[tilespmem:$0x18100] =	vst v63  }
0x90: {  	s1 =	simm.s32 $0x16100  }
0x91: {  	[tilespmem:s1], [sflag:$0x1] =	stream.indirect_vreg.gather [hbm4b:s8+s3], $0x80, v3, vm0, $0xb8;
	[tilespmem:$0x18100] =	vst v63  }
0x92: {  	s1 =	simm.s32 $0x16900  }
0x93: {  	[tilespmem:s1], [sflag:$0x1] =	stream.indirect_vreg.gather [hbm4b:s9+s3], $0x80, v3, vm0, $0xb8;
	[tilespmem:$0x18100] =	vst v63  }
0x94: {  	s1 =	simm.s32 $0x17100  }
0x95: {  	[tilespmem:s1], [sflag:$0x1] =	stream.indirect_vreg.gather [hbm4b:s10+s3], $0x80, v3, vm0, $0xb8;
	[tilespmem:$0x18100] =	vst v63  }
0x96: {  	s1 =	simm.s32 $0x17900  }
0x97: {  	[tilespmem:s1], [sflag:$0x1] =	stream.indirect_vreg.gather [hbm4b:s11+s3], $0x80, v3, vm0, $0xb8;
	[tilespmem:$0x18100] =	vst v63  }
0x98: {  	_ =	swait.ge [sflag:s13], $0x8000  }
0x99: {  	[sflag:s13] =	ssyncset.done $0x0  }
0x9a: {  	s1 =	rddreg [dreg:$0x5];
	[sflag:s13] =	ssyncadd.s32 $0xFFFF8000  }
0x9b: {  	[hbm4b:s1+s3] =	stream.linear.scatter [tilespmem:s0], [sflag:$0x2], $0x8000, $0x38;
	[tilespmem:$0x18100] =	vst v63  }
0x9c: {  	_ =	swait.ge [sflag:s4], $0x8000  }
0x9d: {  	[sflag:s4] =	ssyncset.done $0x0  }
0x9e: {  	[sflag:s4] =	ssyncadd.s32 $0xFFFF8000  }
0x9f: {  	v3 =	vld [tilespmem:$0x30];
	_ =	sdelay $0x4  }
0xa0: {  	v51 =	vshll.u32 v3, $0x4  }
0xa1: {  	v3 =	vand.u32 $0x7, v3;
	v4 =	vand.u32 $0xFFFFFF80, v51  }
0xa2: {  	v3 =	vor.u32 v3, v4  }
0xa3: {  	v4 =	vperm.xlane v3, v0;
	_ =	sdelay $0x1  }
0xa4: {  	v4 =	vadd.s32 v1, v4;
	_ =	sdelay $0x4  }
0xa5: {  	[tilespmem:s17], [sflag:$0x1] =	stream.indirect_vreg.gather [hbm4b:s2+s3], $0x80, v4, vm0, $0xb8;
	[tilespmem:$0x18100] =	vst v63  }
0xa6: {  	s31 =	simm.s32 $0x900  }
0xa7: {  	[tilespmem:s31], [sflag:$0x1] =	stream.indirect_vreg.gather [hbm4b:s5+s3], $0x80, v4, vm0, $0xb8;
	[tilespmem:$0x18100] =	vst v63  }
0xa8: {  	s16 =	simm.s32 $0x1100  }
0xa9: {  	[tilespmem:s16], [sflag:$0x1] =	stream.indirect_vreg.gather [hbm4b:s6+s3], $0x80, v4, vm0, $0xb8;
	[tilespmem:$0x18100] =	vst v63  }
0xaa: {  	s18 =	simm.s32 $0x1900  }
0xab: {  	[tilespmem:s18], [sflag:$0x1] =	stream.indirect_vreg.gather [hbm4b:s7+s3], $0x80, v4, vm0, $0xb8;
	[tilespmem:$0x18100] =	vst v63  }
0xac: {  	s29 =	simm.s32 $0x2100  }
0xad: {  	[tilespmem:s29], [sflag:$0x1] =	stream.indirect_vreg.gather [hbm4b:s8+s3], $0x80, v4, vm0, $0xb8;
	[tilespmem:$0x18100] =	vst v63  }
0xae: {  	s30 =	simm.s32 $0x2900;
	v3 =	vperm.xlane v3, v2  }
0xaf: {  	[tilespmem:s30], [sflag:$0x1] =	stream.indirect_vreg.gather [hbm4b:s9+s3], $0x80, v4, vm0, $0xb8;
	[tilespmem:$0x18100] =	vst v63  }
0xb0: {  	s19 =	simm.s32 $0x3100;
	v3 =	vadd.s32 v1, v3  }
0xb1: {  	[tilespmem:s19], [sflag:$0x1] =	stream.indirect_vreg.gather [hbm4b:s10+s3], $0x80, v4, vm0, $0xb8;
	[tilespmem:$0x18100] =	vst v63  }
0xb2: {  	s20 =	simm.s32 $0x3900  }
0xb3: {  	[tilespmem:s20], [sflag:$0x1] =	stream.indirect_vreg.gather [hbm4b:s11+s3], $0x80, v4, vm0, $0xb8;
	[tilespmem:$0x18100] =	vst v63  }
0xb4: {  	s21 =	simm.s32 $0x4100  }
0xb5: {  	[tilespmem:s21], [sflag:$0x1] =	stream.indirect_vreg.gather [hbm4b:s2+s3], $0x80, v3, vm0, $0xb8;
	[tilespmem:$0x18100] =	vst v63  }
0xb6: {  	s22 =	simm.s32 $0x4900  }
0xb7: {  	[tilespmem:s22], [sflag:$0x1] =	stream.indirect_vreg.gather [hbm4b:s5+s3], $0x80, v3, vm0, $0xb8;
	[tilespmem:$0x18100] =	vst v63  }
0xb8: {  	s23 =	simm.s32 $0x5100  }
0xb9: {  	[tilespmem:s23], [sflag:$0x1] =	stream.indirect_vreg.gather [hbm4b:s6+s3], $0x80, v3, vm0, $0xb8;
	[tilespmem:$0x18100] =	vst v63  }
0xba: {  	s24 =	simm.s32 $0x5900  }
0xbb: {  	[tilespmem:s24], [sflag:$0x1] =	stream.indirect_vreg.gather [hbm4b:s7+s3], $0x80, v3, vm0, $0xb8;
	[tilespmem:$0x18100] =	vst v63  }
0xbc: {  	s25 =	simm.s32 $0x6100  }
0xbd: {  	[tilespmem:s25], [sflag:$0x1] =	stream.indirect_vreg.gather [hbm4b:s8+s3], $0x80, v3, vm0, $0xb8;
	[tilespmem:$0x18100] =	vst v63  }
0xbe: {  	s26 =	simm.s32 $0x6900  }
0xbf: {  	[tilespmem:s26], [sflag:$0x1] =	stream.indirect_vreg.gather [hbm4b:s9+s3], $0x80, v3, vm0, $0xb8;
	[tilespmem:$0x18100] =	vst v63  }
0xc0: {  	s28 =	simm.s32 $0x7100  }
0xc1: {  	[tilespmem:s28], [sflag:$0x1] =	stream.indirect_vreg.gather [hbm4b:s10+s3], $0x80, v3, vm0, $0xb8;
	[tilespmem:$0x18100] =	vst v63  }
0xc2: {  	s15 =	simm.s32 $0x7900  }
0xc3: {  	[tilespmem:s15], [sflag:$0x1] =	stream.indirect_vreg.gather [hbm4b:s11+s3], $0x80, v3, vm0, $0xb8;
	[tilespmem:$0x18100] =	vst v63  }
0xc4: {  	_ =	swait.ge [sflag:s13], $0x8000  }
0xc5: {  	[sflag:s13] =	ssyncset.done $0x0  }
0xc6: {  	s1 =	rddreg [dreg:$0x6];
	[sflag:s13] =	ssyncadd.s32 $0xFFFF8000  }
0xc7: {  	[hbm4b:s1+s3] =	stream.linear.scatter [tilespmem:s14], [sflag:$0x2], $0x8000, $0x38;
	[tilespmem:$0x18100] =	vst v63  }
0xc8: {  	_ =	swait.ge [sflag:s4], $0x8000  }
0xc9: {  	[sflag:s4] =	ssyncset.done $0x0  }
0xca: {  	[sflag:s4] =	ssyncadd.s32 $0xFFFF8000  }
0xcb: {  	v3 =	vld [tilespmem:$0x40];
	_ =	sdelay $0x4  }
0xcc: {  	v52 =	vshll.u32 v3, $0x4  }
0xcd: {  	v3 =	vand.u32 $0x7, v3;
	v4 =	vand.u32 $0xFFFFFF80, v52  }
0xce: {  	v3 =	vor.u32 v3, v4  }
0xcf: {  	v4 =	vperm.xlane v3, v0;
	_ =	sdelay $0x1  }
0xd0: {  	v4 =	vadd.s32 v1, v4;
	_ =	sdelay $0x4  }
0xd1: {  	[tilespmem:s0], [sflag:$0x1] =	stream.indirect_vreg.gather [hbm4b:s2+s3], $0x80, v4, vm0, $0xb8;
	[tilespmem:$0x18100] =	vst v63  }
0xd2: {  	s1 =	simm.s32 $0x8900  }
0xd3: {  	[tilespmem:s1], [sflag:$0x1] =	stream.indirect_vreg.gather [hbm4b:s5+s3], $0x80, v4, vm0, $0xb8;
	[tilespmem:$0x18100] =	vst v63  }
0xd4: {  	s1 =	simm.s32 $0x9100  }
0xd5: {  	[tilespmem:s1], [sflag:$0x1] =	stream.indirect_vreg.gather [hbm4b:s6+s3], $0x80, v4, vm0, $0xb8;
	[tilespmem:$0x18100] =	vst v63  }
0xd6: {  	s1 =	simm.s32 $0x9900  }
0xd7: {  	[tilespmem:s1], [sflag:$0x1] =	stream.indirect_vreg.gather [hbm4b:s7+s3], $0x80, v4, vm0, $0xb8;
	[tilespmem:$0x18100] =	vst v63  }
0xd8: {  	s1 =	simm.s32 $0xA100  }
0xd9: {  	[tilespmem:s1], [sflag:$0x1] =	stream.indirect_vreg.gather [hbm4b:s8+s3], $0x80, v4, vm0, $0xb8;
	[tilespmem:$0x18100] =	vst v63  }
0xda: {  	v3 =	vperm.xlane v3, v2;
	s1 =	simm.s32 $0xA900  }
0xdb: {  	[tilespmem:s1], [sflag:$0x1] =	stream.indirect_vreg.gather [hbm4b:s9+s3], $0x80, v4, vm0, $0xb8;
	[tilespmem:$0x18100] =	vst v63  }
0xdc: {  	v3 =	vadd.s32 v1, v3;
	s1 =	simm.s32 $0xB100  }
0xdd: {  	[tilespmem:s1], [sflag:$0x1] =	stream.indirect_vreg.gather [hbm4b:s10+s3], $0x80, v4, vm0, $0xb8;
	[tilespmem:$0x18100] =	vst v63  }
0xde: {  	s1 =	simm.s32 $0xB900  }
0xdf: {  	[tilespmem:s1], [sflag:$0x1] =	stream.indirect_vreg.gather [hbm4b:s11+s3], $0x80, v4, vm0, $0xb8;
	[tilespmem:$0x18100] =	vst v63  }
0xe0: {  	s1 =	simm.s32 $0xC100  }
0xe1: {  	[tilespmem:s1], [sflag:$0x1] =	stream.indirect_vreg.gather [hbm4b:s2+s3], $0x80, v3, vm0, $0xb8;
	[tilespmem:$0x18100] =	vst v63  }
0xe2: {  	s1 =	simm.s32 $0xC900  }
0xe3: {  	[tilespmem:s1], [sflag:$0x1] =	stream.indirect_vreg.gather [hbm4b:s5+s3], $0x80, v3, vm0, $0xb8;
	[tilespmem:$0x18100] =	vst v63  }
0xe4: {  	s1 =	simm.s32 $0xD100  }
0xe5: {  	[tilespmem:s1], [sflag:$0x1] =	stream.indirect_vreg.gather [hbm4b:s6+s3], $0x80, v3, vm0, $0xb8;
	[tilespmem:$0x18100] =	vst v63  }
0xe6: {  	s1 =	simm.s32 $0xD900  }
0xe7: {  	[tilespmem:s1], [sflag:$0x1] =	stream.indirect_vreg.gather [hbm4b:s7+s3], $0x80, v3, vm0, $0xb8;
	[tilespmem:$0x18100] =	vst v63  }
0xe8: {  	s1 =	simm.s32 $0xE100  }
0xe9: {  	[tilespmem:s1], [sflag:$0x1] =	stream.indirect_vreg.gather [hbm4b:s8+s3], $0x80, v3, vm0, $0xb8;
	[tilespmem:$0x18100] =	vst v63  }
0xea: {  	s1 =	simm.s32 $0xE900  }
0xeb: {  	[tilespmem:s1], [sflag:$0x1] =	stream.indirect_vreg.gather [hbm4b:s9+s3], $0x80, v3, vm0, $0xb8;
	[tilespmem:$0x18100] =	vst v63  }
0xec: {  	s1 =	simm.s32 $0xF100  }
0xed: {  	[tilespmem:s1], [sflag:$0x1] =	stream.indirect_vreg.gather [hbm4b:s10+s3], $0x80, v3, vm0, $0xb8;
	[tilespmem:$0x18100] =	vst v63  }
0xee: {  	s1 =	simm.s32 $0xF900  }
0xef: {  	[tilespmem:s1], [sflag:$0x1] =	stream.indirect_vreg.gather [hbm4b:s11+s3], $0x80, v3, vm0, $0xb8;
	[tilespmem:$0x18100] =	vst v63  }
0xf0: {  	_ =	swait.ge [sflag:s13], $0x8000  }
0xf1: {  	[sflag:s13] =	ssyncset.done $0x0  }
0xf2: {  	s1 =	rddreg [dreg:$0x7];
	[sflag:s13] =	ssyncadd.s32 $0xFFFF8000  }
0xf3: {  	[hbm4b:s1+s3] =	stream.linear.scatter [tilespmem:s17], [sflag:$0x2], $0x8000, $0x38;
	[tilespmem:$0x18100] =	vst v63  }
0xf4: {  	_ =	swait.ge [sflag:s4], $0x8000  }
0xf5: {  	[sflag:s4] =	ssyncset.done $0x0  }
0xf6: {  	[sflag:s4] =	ssyncadd.s32 $0xFFFF8000  }
0xf7: {  	v3 =	vld [tilespmem:$0x50];
	_ =	sdelay $0x4  }
0xf8: {  	v53 =	vshll.u32 v3, $0x4  }
0xf9: {  	v3 =	vand.u32 $0x7, v3;
	v4 =	vand.u32 $0xFFFFFF80, v53  }
0xfa: {  	v3 =	vor.u32 v3, v4  }
0xfb: {  	v4 =	vperm.xlane v3, v0;
	_ =	sdelay $0x1  }
0xfc: {  	v4 =	vadd.s32 v1, v4;
	_ =	sdelay $0x4  }
0xfd: {  	[tilespmem:s14], [sflag:$0x1] =	stream.indirect_vreg.gather [hbm4b:s2+s3], $0x80, v4, vm0, $0xb8;
	[tilespmem:$0x18100] =	vst v63  }
0xfe: {  	s1 =	simm.s32 $0x10900  }
0xff: {  	[tilespmem:s1], [sflag:$0x1] =	stream.indirect_vreg.gather [hbm4b:s5+s3], $0x80, v4, vm0, $0xb8;
	[tilespmem:$0x18100] =	vst v63  }
0x100: {  	s1 =	simm.s32 $0x11100  }
0x101: {  	[tilespmem:s1], [sflag:$0x1] =	stream.indirect_vreg.gather [hbm4b:s6+s3], $0x80, v4, vm0, $0xb8;
	[tilespmem:$0x18100] =	vst v63  }
0x102: {  	s1 =	simm.s32 $0x11900  }
0x103: {  	[tilespmem:s1], [sflag:$0x1] =	stream.indirect_vreg.gather [hbm4b:s7+s3], $0x80, v4, vm0, $0xb8;
	[tilespmem:$0x18100] =	vst v63  }
0x104: {  	s1 =	simm.s32 $0x12100  }
0x105: {  	[tilespmem:s1], [sflag:$0x1] =	stream.indirect_vreg.gather [hbm4b:s8+s3], $0x80, v4, vm0, $0xb8;
	[tilespmem:$0x18100] =	vst v63  }
0x106: {  	v3 =	vperm.xlane v3, v2;
	s1 =	simm.s32 $0x12900  }
0x107: {  	[tilespmem:s1], [sflag:$0x1] =	stream.indirect_vreg.gather [hbm4b:s9+s3], $0x80, v4, vm0, $0xb8;
	[tilespmem:$0x18100] =	vst v63  }
0x108: {  	v3 =	vadd.s32 v1, v3;
	s1 =	simm.s32 $0x13100  }
0x109: {  	[tilespmem:s1], [sflag:$0x1] =	stream.indirect_vreg.gather [hbm4b:s10+s3], $0x80, v4, vm0, $0xb8;
	[tilespmem:$0x18100] =	vst v63  }
0x10a: {  	s1 =	simm.s32 $0x13900  }
0x10b: {  	[tilespmem:s1], [sflag:$0x1] =	stream.indirect_vreg.gather [hbm4b:s11+s3], $0x80, v4, vm0, $0xb8;
	[tilespmem:$0x18100] =	vst v63  }
0x10c: {  	s1 =	simm.s32 $0x14100  }
0x10d: {  	[tilespmem:s1], [sflag:$0x1] =	stream.indirect_vreg.gather [hbm4b:s2+s3], $0x80, v3, vm0, $0xb8;
	[tilespmem:$0x18100] =	vst v63  }
0x10e: {  	s1 =	simm.s32 $0x14900  }
0x10f: {  	[tilespmem:s1], [sflag:$0x1] =	stream.indirect_vreg.gather [hbm4b:s5+s3], $0x80, v3, vm0, $0xb8;
	[tilespmem:$0x18100] =	vst v63  }
0x110: {  	s1 =	simm.s32 $0x15100  }
0x111: {  	[tilespmem:s1], [sflag:$0x1] =	stream.indirect_vreg.gather [hbm4b:s6+s3], $0x80, v3, vm0, $0xb8;
	[tilespmem:$0x18100] =	vst v63  }
0x112: {  	s1 =	simm.s32 $0x15900  }
0x113: {  	[tilespmem:s1], [sflag:$0x1] =	stream.indirect_vreg.gather [hbm4b:s7+s3], $0x80, v3, vm0, $0xb8;
	[tilespmem:$0x18100] =	vst v63  }
0x114: {  	s1 =	simm.s32 $0x16100  }
0x115: {  	[tilespmem:s1], [sflag:$0x1] =	stream.indirect_vreg.gather [hbm4b:s8+s3], $0x80, v3, vm0, $0xb8;
	[tilespmem:$0x18100] =	vst v63  }
0x116: {  	s1 =	simm.s32 $0x16900  }
0x117: {  	[tilespmem:s1], [sflag:$0x1] =	stream.indirect_vreg.gather [hbm4b:s9+s3], $0x80, v3, vm0, $0xb8;
	[tilespmem:$0x18100] =	vst v63  }
0x118: {  	s1 =	simm.s32 $0x17100  }
0x119: {  	[tilespmem:s1], [sflag:$0x1] =	stream.indirect_vreg.gather [hbm4b:s10+s3], $0x80, v3, vm0, $0xb8;
	[tilespmem:$0x18100] =	vst v63  }
0x11a: {  	s1 =	simm.s32 $0x17900  }
0x11b: {  	[tilespmem:s1], [sflag:$0x1] =	stream.indirect_vreg.gather [hbm4b:s11+s3], $0x80, v3, vm0, $0xb8;
	[tilespmem:$0x18100] =	vst v63  }
0x11c: {  	_ =	swait.ge [sflag:s13], $0x8000  }
0x11d: {  	[sflag:s13] =	ssyncset.done $0x0  }
0x11e: {  	s1 =	rddreg [dreg:$0x8];
	[sflag:s13] =	ssyncadd.s32 $0xFFFF8000  }
0x11f: {  	[hbm4b:s1+s3] =	stream.linear.scatter [tilespmem:s0], [sflag:$0x2], $0x8000, $0x38;
	[tilespmem:$0x18100] =	vst v63  }
0x120: {  	_ =	swait.ge [sflag:s4], $0x8000  }
0x121: {  	[sflag:s4] =	ssyncset.done $0x0  }
0x122: {  	[sflag:s4] =	ssyncadd.s32 $0xFFFF8000  }
0x123: {  	v3 =	vld [tilespmem:$0x60];
	_ =	sdelay $0x4  }
0x124: {  	v54 =	vshll.u32 v3, $0x4  }
0x125: {  	v3 =	vand.u32 $0x7, v3;
	v4 =	vand.u32 $0xFFFFFF80, v54  }
0x126: {  	v3 =	vor.u32 v3, v4  }
0x127: {  	v4 =	vperm.xlane v3, v0;
	_ =	sdelay $0x1  }
0x128: {  	v4 =	vadd.s32 v1, v4;
	_ =	sdelay $0x4  }
0x129: {  	[tilespmem:s17], [sflag:$0x1] =	stream.indirect_vreg.gather [hbm4b:s2+s3], $0x80, v4, vm0, $0xb8;
	[tilespmem:$0x18100] =	vst v63  }
0x12a: {  	s31 =	simm.s32 $0x900  }
0x12b: {  	[tilespmem:s31], [sflag:$0x1] =	stream.indirect_vreg.gather [hbm4b:s5+s3], $0x80, v4, vm0, $0xb8;
	[tilespmem:$0x18100] =	vst v63  }
0x12c: {  	s16 =	simm.s32 $0x1100  }
0x12d: {  	[tilespmem:s16], [sflag:$0x1] =	stream.indirect_vreg.gather [hbm4b:s6+s3], $0x80, v4, vm0, $0xb8;
	[tilespmem:$0x18100] =	vst v63  }
0x12e: {  	s18 =	simm.s32 $0x1900  }
0x12f: {  	[tilespmem:s18], [sflag:$0x1] =	stream.indirect_vreg.gather [hbm4b:s7+s3], $0x80, v4, vm0, $0xb8;
	[tilespmem:$0x18100] =	vst v63  }
0x130: {  	s29 =	simm.s32 $0x2100  }
0x131: {  	[tilespmem:s29], [sflag:$0x1] =	stream.indirect_vreg.gather [hbm4b:s8+s3], $0x80, v4, vm0, $0xb8;
	[tilespmem:$0x18100] =	vst v63  }
0x132: {  	s30 =	simm.s32 $0x2900;
	v3 =	vperm.xlane v3, v2  }
0x133: {  	[tilespmem:s30], [sflag:$0x1] =	stream.indirect_vreg.gather [hbm4b:s9+s3], $0x80, v4, vm0, $0xb8;
	[tilespmem:$0x18100] =	vst v63  }
0x134: {  	s19 =	simm.s32 $0x3100;
	v3 =	vadd.s32 v1, v3  }
0x135: {  	[tilespmem:s19], [sflag:$0x1] =	stream.indirect_vreg.gather [hbm4b:s10+s3], $0x80, v4, vm0, $0xb8;
	[tilespmem:$0x18100] =	vst v63  }
0x136: {  	s20 =	simm.s32 $0x3900  }
0x137: {  	[tilespmem:s20], [sflag:$0x1] =	stream.indirect_vreg.gather [hbm4b:s11+s3], $0x80, v4, vm0, $0xb8;
	[tilespmem:$0x18100] =	vst v63  }
0x138: {  	s21 =	simm.s32 $0x4100  }
0x139: {  	[tilespmem:s21], [sflag:$0x1] =	stream.indirect_vreg.gather [hbm4b:s2+s3], $0x80, v3, vm0, $0xb8;
	[tilespmem:$0x18100] =	vst v63  }
0x13a: {  	s22 =	simm.s32 $0x4900  }
0x13b: {  	[tilespmem:s22], [sflag:$0x1] =	stream.indirect_vreg.gather [hbm4b:s5+s3], $0x80, v3, vm0, $0xb8;
	[tilespmem:$0x18100] =	vst v63  }
0x13c: {  	s23 =	simm.s32 $0x5100  }
0x13d: {  	[tilespmem:s23], [sflag:$0x1] =	stream.indirect_vreg.gather [hbm4b:s6+s3], $0x80, v3, vm0, $0xb8;
	[tilespmem:$0x18100] =	vst v63  }
0x13e: {  	s24 =	simm.s32 $0x5900  }
0x13f: {  	[tilespmem:s24], [sflag:$0x1] =	stream.indirect_vreg.gather [hbm4b:s7+s3], $0x80, v3, vm0, $0xb8;
	[tilespmem:$0x18100] =	vst v63  }
0x140: {  	s25 =	simm.s32 $0x6100  }
0x141: {  	[tilespmem:s25], [sflag:$0x1] =	stream.indirect_vreg.gather [hbm4b:s8+s3], $0x80, v3, vm0, $0xb8;
	[tilespmem:$0x18100] =	vst v63  }
0x142: {  	s26 =	simm.s32 $0x6900  }
0x143: {  	[tilespmem:s26], [sflag:$0x1] =	stream.indirect_vreg.gather [hbm4b:s9+s3], $0x80, v3, vm0, $0xb8;
	[tilespmem:$0x18100] =	vst v63  }
0x144: {  	s28 =	simm.s32 $0x7100  }
0x145: {  	[tilespmem:s28], [sflag:$0x1] =	stream.indirect_vreg.gather [hbm4b:s10+s3], $0x80, v3, vm0, $0xb8;
	[tilespmem:$0x18100] =	vst v63  }
0x146: {  	s15 =	simm.s32 $0x7900  }
0x147: {  	[tilespmem:s15], [sflag:$0x1] =	stream.indirect_vreg.gather [hbm4b:s11+s3], $0x80, v3, vm0, $0xb8;
	[tilespmem:$0x18100] =	vst v63  }
0x148: {  	_ =	swait.ge [sflag:s13], $0x8000  }
0x149: {  	[sflag:s13] =	ssyncset.done $0x0  }
0x14a: {  	s1 =	rddreg [dreg:$0x9];
	[sflag:s13] =	ssyncadd.s32 $0xFFFF8000  }
0x14b: {  	[hbm4b:s1+s3] =	stream.linear.scatter [tilespmem:s14], [sflag:$0x2], $0x8000, $0x38;
	[tilespmem:$0x18100] =	vst v63  }
0x14c: {  	_ =	swait.ge [sflag:s4], $0x8000  }
0x14d: {  	[sflag:s4] =	ssyncset.done $0x0  }
0x14e: {  	[sflag:s4] =	ssyncadd.s32 $0xFFFF8000  }
0x14f: {  	v3 =	vld [tilespmem:$0x70];
	_ =	sdelay $0x4  }
0x150: {  	v55 =	vshll.u32 v3, $0x4  }
0x151: {  	v3 =	vand.u32 $0x7, v3;
	v4 =	vand.u32 $0xFFFFFF80, v55  }
0x152: {  	v3 =	vor.u32 v3, v4  }
0x153: {  	v4 =	vperm.xlane v3, v0;
	_ =	sdelay $0x1  }
0x154: {  	v4 =	vadd.s32 v1, v4;
	_ =	sdelay $0x4  }
0x155: {  	[tilespmem:s0], [sflag:$0x1] =	stream.indirect_vreg.gather [hbm4b:s2+s3], $0x80, v4, vm0, $0xb8;
	[tilespmem:$0x18100] =	vst v63  }
0x156: {  	s1 =	simm.s32 $0x8900  }
0x157: {  	[tilespmem:s1], [sflag:$0x1] =	stream.indirect_vreg.gather [hbm4b:s5+s3], $0x80, v4, vm0, $0xb8;
	[tilespmem:$0x18100] =	vst v63  }
0x158: {  	s1 =	simm.s32 $0x9100  }
0x159: {  	[tilespmem:s1], [sflag:$0x1] =	stream.indirect_vreg.gather [hbm4b:s6+s3], $0x80, v4, vm0, $0xb8;
	[tilespmem:$0x18100] =	vst v63  }
0x15a: {  	s1 =	simm.s32 $0x9900  }
0x15b: {  	[tilespmem:s1], [sflag:$0x1] =	stream.indirect_vreg.gather [hbm4b:s7+s3], $0x80, v4, vm0, $0xb8;
	[tilespmem:$0x18100] =	vst v63  }
0x15c: {  	s1 =	simm.s32 $0xA100  }
0x15d: {  	[tilespmem:s1], [sflag:$0x1] =	stream.indirect_vreg.gather [hbm4b:s8+s3], $0x80, v4, vm0, $0xb8;
	[tilespmem:$0x18100] =	vst v63  }
0x15e: {  	v3 =	vperm.xlane v3, v2;
	s1 =	simm.s32 $0xA900  }
0x15f: {  	[tilespmem:s1], [sflag:$0x1] =	stream.indirect_vreg.gather [hbm4b:s9+s3], $0x80, v4, vm0, $0xb8;
	[tilespmem:$0x18100] =	vst v63  }
0x160: {  	v3 =	vadd.s32 v1, v3;
	s1 =	simm.s32 $0xB100  }
0x161: {  	[tilespmem:s1], [sflag:$0x1] =	stream.indirect_vreg.gather [hbm4b:s10+s3], $0x80, v4, vm0, $0xb8;
	[tilespmem:$0x18100] =	vst v63  }
0x162: {  	s1 =	simm.s32 $0xB900  }
0x163: {  	[tilespmem:s1], [sflag:$0x1] =	stream.indirect_vreg.gather [hbm4b:s11+s3], $0x80, v4, vm0, $0xb8;
	[tilespmem:$0x18100] =	vst v63  }
0x164: {  	s1 =	simm.s32 $0xC100  }
0x165: {  	[tilespmem:s1], [sflag:$0x1] =	stream.indirect_vreg.gather [hbm4b:s2+s3], $0x80, v3, vm0, $0xb8;
	[tilespmem:$0x18100] =	vst v63  }
0x166: {  	s1 =	simm.s32 $0xC900  }
0x167: {  	[tilespmem:s1], [sflag:$0x1] =	stream.indirect_vreg.gather [hbm4b:s5+s3], $0x80, v3, vm0, $0xb8;
	[tilespmem:$0x18100] =	vst v63  }
0x168: {  	s1 =	simm.s32 $0xD100  }
0x169: {  	[tilespmem:s1], [sflag:$0x1] =	stream.indirect_vreg.gather [hbm4b:s6+s3], $0x80, v3, vm0, $0xb8;
	[tilespmem:$0x18100] =	vst v63  }
0x16a: {  	s1 =	simm.s32 $0xD900  }
0x16b: {  	[tilespmem:s1], [sflag:$0x1] =	stream.indirect_vreg.gather [hbm4b:s7+s3], $0x80, v3, vm0, $0xb8;
	[tilespmem:$0x18100] =	vst v63  }
0x16c: {  	s1 =	simm.s32 $0xE100  }
0x16d: {  	[tilespmem:s1], [sflag:$0x1] =	stream.indirect_vreg.gather [hbm4b:s8+s3], $0x80, v3, vm0, $0xb8;
	[tilespmem:$0x18100] =	vst v63  }
0x16e: {  	s1 =	simm.s32 $0xE900  }
0x16f: {  	[tilespmem:s1], [sflag:$0x1] =	stream.indirect_vreg.gather [hbm4b:s9+s3], $0x80, v3, vm0, $0xb8;
	[tilespmem:$0x18100] =	vst v63  }
0x170: {  	s1 =	simm.s32 $0xF100  }
0x171: {  	[tilespmem:s1], [sflag:$0x1] =	stream.indirect_vreg.gather [hbm4b:s10+s3], $0x80, v3, vm0, $0xb8;
	[tilespmem:$0x18100] =	vst v63  }
0x172: {  	s1 =	simm.s32 $0xF900  }
0x173: {  	[tilespmem:s1], [sflag:$0x1] =	stream.indirect_vreg.gather [hbm4b:s11+s3], $0x80, v3, vm0, $0xb8;
	[tilespmem:$0x18100] =	vst v63  }
0x174: {  	_ =	swait.ge [sflag:s13], $0x8000  }
0x175: {  	[sflag:s13] =	ssyncset.done $0x0  }
0x176: {  	s1 =	rddreg [dreg:$0xa];
	[sflag:s13] =	ssyncadd.s32 $0xFFFF8000  }
0x177: {  	[hbm4b:s1+s3] =	stream.linear.scatter [tilespmem:s17], [sflag:$0x2], $0x8000, $0x38;
	[tilespmem:$0x18100] =	vst v63  }
0x178: {  	_ =	swait.ge [sflag:s4], $0x8000  }
0x179: {  	[sflag:s4] =	ssyncset.done $0x0  }
0x17a: {  	[sflag:s4] =	ssyncadd.s32 $0xFFFF8000  }
0x17b: {  	v3 =	vld [tilespmem:$0x80];
	_ =	sdelay $0x4  }
0x17c: {  	v56 =	vshll.u32 v3, $0x4  }
0x17d: {  	v3 =	vand.u32 $0x7, v3;
	v4 =	vand.u32 $0xFFFFFF80, v56  }
0x17e: {  	v3 =	vor.u32 v3, v4  }
0x17f: {  	v4 =	vperm.xlane v3, v0;
	_ =	sdelay $0x1  }
0x180: {  	v4 =	vadd.s32 v1, v4;
	_ =	sdelay $0x4  }
0x181: {  	[tilespmem:s14], [sflag:$0x1] =	stream.indirect_vreg.gather [hbm4b:s2+s3], $0x80, v4, vm0, $0xb8;
	[tilespmem:$0x18100] =	vst v63  }
0x182: {  	s1 =	simm.s32 $0x10900  }
0x183: {  	[tilespmem:s1], [sflag:$0x1] =	stream.indirect_vreg.gather [hbm4b:s5+s3], $0x80, v4, vm0, $0xb8;
	[tilespmem:$0x18100] =	vst v63  }
0x184: {  	s1 =	simm.s32 $0x11100  }
0x185: {  	[tilespmem:s1], [sflag:$0x1] =	stream.indirect_vreg.gather [hbm4b:s6+s3], $0x80, v4, vm0, $0xb8;
	[tilespmem:$0x18100] =	vst v63  }
0x186: {  	s1 =	simm.s32 $0x11900  }
0x187: {  	[tilespmem:s1], [sflag:$0x1] =	stream.indirect_vreg.gather [hbm4b:s7+s3], $0x80, v4, vm0, $0xb8;
	[tilespmem:$0x18100] =	vst v63  }
0x188: {  	s1 =	simm.s32 $0x12100  }
0x189: {  	[tilespmem:s1], [sflag:$0x1] =	stream.indirect_vreg.gather [hbm4b:s8+s3], $0x80, v4, vm0, $0xb8;
	[tilespmem:$0x18100] =	vst v63  }
0x18a: {  	v3 =	vperm.xlane v3, v2;
	s1 =	simm.s32 $0x12900  }
0x18b: {  	[tilespmem:s1], [sflag:$0x1] =	stream.indirect_vreg.gather [hbm4b:s9+s3], $0x80, v4, vm0, $0xb8;
	[tilespmem:$0x18100] =	vst v63  }
0x18c: {  	v3 =	vadd.s32 v1, v3;
	s1 =	simm.s32 $0x13100  }
0x18d: {  	[tilespmem:s1], [sflag:$0x1] =	stream.indirect_vreg.gather [hbm4b:s10+s3], $0x80, v4, vm0, $0xb8;
	[tilespmem:$0x18100] =	vst v63  }
0x18e: {  	s1 =	simm.s32 $0x13900  }
0x18f: {  	[tilespmem:s1], [sflag:$0x1] =	stream.indirect_vreg.gather [hbm4b:s11+s3], $0x80, v4, vm0, $0xb8;
	[tilespmem:$0x18100] =	vst v63  }
0x190: {  	s1 =	simm.s32 $0x14100  }
0x191: {  	[tilespmem:s1], [sflag:$0x1] =	stream.indirect_vreg.gather [hbm4b:s2+s3], $0x80, v3, vm0, $0xb8;
	[tilespmem:$0x18100] =	vst v63  }
0x192: {  	s1 =	simm.s32 $0x14900  }
0x193: {  	[tilespmem:s1], [sflag:$0x1] =	stream.indirect_vreg.gather [hbm4b:s5+s3], $0x80, v3, vm0, $0xb8;
	[tilespmem:$0x18100] =	vst v63  }
0x194: {  	s1 =	simm.s32 $0x15100  }
0x195: {  	[tilespmem:s1], [sflag:$0x1] =	stream.indirect_vreg.gather [hbm4b:s6+s3], $0x80, v3, vm0, $0xb8;
	[tilespmem:$0x18100] =	vst v63  }
0x196: {  	s1 =	simm.s32 $0x15900  }
0x197: {  	[tilespmem:s1], [sflag:$0x1] =	stream.indirect_vreg.gather [hbm4b:s7+s3], $0x80, v3, vm0, $0xb8;
	[tilespmem:$0x18100] =	vst v63  }
0x198: {  	s1 =	simm.s32 $0x16100  }
0x199: {  	[tilespmem:s1], [sflag:$0x1] =	stream.indirect_vreg.gather [hbm4b:s8+s3], $0x80, v3, vm0, $0xb8;
	[tilespmem:$0x18100] =	vst v63  }
0x19a: {  	s1 =	simm.s32 $0x16900  }
0x19b: {  	[tilespmem:s1], [sflag:$0x1] =	stream.indirect_vreg.gather [hbm4b:s9+s3], $0x80, v3, vm0, $0xb8;
	[tilespmem:$0x18100] =	vst v63  }
0x19c: {  	s1 =	simm.s32 $0x17100  }
0x19d: {  	[tilespmem:s1], [sflag:$0x1] =	stream.indirect_vreg.gather [hbm4b:s10+s3], $0x80, v3, vm0, $0xb8;
	[tilespmem:$0x18100] =	vst v63  }
0x19e: {  	s1 =	simm.s32 $0x17900  }
0x19f: {  	[tilespmem:s1], [sflag:$0x1] =	stream.indirect_vreg.gather [hbm4b:s11+s3], $0x80, v3, vm0, $0xb8;
	[tilespmem:$0x18100] =	vst v63  }
0x1a0: {  	_ =	swait.ge [sflag:s13], $0x8000  }
0x1a1: {  	[sflag:s13] =	ssyncset.done $0x0  }
0x1a2: {  	s1 =	rddreg [dreg:$0xb];
	[sflag:s13] =	ssyncadd.s32 $0xFFFF8000  }
0x1a3: {  	[hbm4b:s1+s3] =	stream.linear.scatter [tilespmem:s0], [sflag:$0x2], $0x8000, $0x38;
	[tilespmem:$0x18100] =	vst v63  }
0x1a4: {  	_ =	swait.ge [sflag:s4], $0x8000  }
0x1a5: {  	[sflag:s4] =	ssyncset.done $0x0  }
0x1a6: {  	[sflag:s4] =	ssyncadd.s32 $0xFFFF8000  }
0x1a7: {  	v3 =	vld [tilespmem:$0x90];
	_ =	sdelay $0x4  }
0x1a8: {  	v57 =	vshll.u32 v3, $0x4  }
0x1a9: {  	v3 =	vand.u32 $0x7, v3;
	v4 =	vand.u32 $0xFFFFFF80, v57  }
0x1aa: {  	v3 =	vor.u32 v3, v4  }
0x1ab: {  	v4 =	vperm.xlane v3, v0;
	_ =	sdelay $0x1  }
0x1ac: {  	v4 =	vadd.s32 v1, v4;
	_ =	sdelay $0x4  }
0x1ad: {  	[tilespmem:s17], [sflag:$0x1] =	stream.indirect_vreg.gather [hbm4b:s2+s3], $0x80, v4, vm0, $0xb8;
	[tilespmem:$0x18100] =	vst v63  }
0x1ae: {  	s31 =	simm.s32 $0x900  }
0x1af: {  	[tilespmem:s31], [sflag:$0x1] =	stream.indirect_vreg.gather [hbm4b:s5+s3], $0x80, v4, vm0, $0xb8;
	[tilespmem:$0x18100] =	vst v63  }
0x1b0: {  	s16 =	simm.s32 $0x1100  }
0x1b1: {  	[tilespmem:s16], [sflag:$0x1] =	stream.indirect_vreg.gather [hbm4b:s6+s3], $0x80, v4, vm0, $0xb8;
	[tilespmem:$0x18100] =	vst v63  }
0x1b2: {  	s18 =	simm.s32 $0x1900  }
0x1b3: {  	[tilespmem:s18], [sflag:$0x1] =	stream.indirect_vreg.gather [hbm4b:s7+s3], $0x80, v4, vm0, $0xb8;
	[tilespmem:$0x18100] =	vst v63  }
0x1b4: {  	s29 =	simm.s32 $0x2100  }
0x1b5: {  	[tilespmem:s29], [sflag:$0x1] =	stream.indirect_vreg.gather [hbm4b:s8+s3], $0x80, v4, vm0, $0xb8;
	[tilespmem:$0x18100] =	vst v63  }
0x1b6: {  	s30 =	simm.s32 $0x2900;
	v3 =	vperm.xlane v3, v2  }
0x1b7: {  	[tilespmem:s30], [sflag:$0x1] =	stream.indirect_vreg.gather [hbm4b:s9+s3], $0x80, v4, vm0, $0xb8;
	[tilespmem:$0x18100] =	vst v63  }
0x1b8: {  	s19 =	simm.s32 $0x3100;
	v3 =	vadd.s32 v1, v3  }
0x1b9: {  	[tilespmem:s19], [sflag:$0x1] =	stream.indirect_vreg.gather [hbm4b:s10+s3], $0x80, v4, vm0, $0xb8;
	[tilespmem:$0x18100] =	vst v63  }
0x1ba: {  	s20 =	simm.s32 $0x3900  }
0x1bb: {  	[tilespmem:s20], [sflag:$0x1] =	stream.indirect_vreg.gather [hbm4b:s11+s3], $0x80, v4, vm0, $0xb8;
	[tilespmem:$0x18100] =	vst v63  }
0x1bc: {  	s21 =	simm.s32 $0x4100  }
0x1bd: {  	[tilespmem:s21], [sflag:$0x1] =	stream.indirect_vreg.gather [hbm4b:s2+s3], $0x80, v3, vm0, $0xb8;
	[tilespmem:$0x18100] =	vst v63  }
0x1be: {  	s22 =	simm.s32 $0x4900  }
0x1bf: {  	[tilespmem:s22], [sflag:$0x1] =	stream.indirect_vreg.gather [hbm4b:s5+s3], $0x80, v3, vm0, $0xb8;
	[tilespmem:$0x18100] =	vst v63  }
0x1c0: {  	s23 =	simm.s32 $0x5100  }
0x1c1: {  	[tilespmem:s23], [sflag:$0x1] =	stream.indirect_vreg.gather [hbm4b:s6+s3], $0x80, v3, vm0, $0xb8;
	[tilespmem:$0x18100] =	vst v63  }
0x1c2: {  	s24 =	simm.s32 $0x5900  }
0x1c3: {  	[tilespmem:s24], [sflag:$0x1] =	stream.indirect_vreg.gather [hbm4b:s7+s3], $0x80, v3, vm0, $0xb8;
	[tilespmem:$0x18100] =	vst v63  }
0x1c4: {  	s25 =	simm.s32 $0x6100  }
0x1c5: {  	[tilespmem:s25], [sflag:$0x1] =	stream.indirect_vreg.gather [hbm4b:s8+s3], $0x80, v3, vm0, $0xb8;
	[tilespmem:$0x18100] =	vst v63  }
0x1c6: {  	s26 =	simm.s32 $0x6900  }
0x1c7: {  	[tilespmem:s26], [sflag:$0x1] =	stream.indirect_vreg.gather [hbm4b:s9+s3], $0x80, v3, vm0, $0xb8;
	[tilespmem:$0x18100] =	vst v63  }
0x1c8: {  	s28 =	simm.s32 $0x7100  }
0x1c9: {  	[tilespmem:s28], [sflag:$0x1] =	stream.indirect_vreg.gather [hbm4b:s10+s3], $0x80, v3, vm0, $0xb8;
	[tilespmem:$0x18100] =	vst v63  }
0x1ca: {  	s15 =	simm.s32 $0x7900  }
0x1cb: {  	[tilespmem:s15], [sflag:$0x1] =	stream.indirect_vreg.gather [hbm4b:s11+s3], $0x80, v3, vm0, $0xb8;
	[tilespmem:$0x18100] =	vst v63  }
0x1cc: {  	_ =	swait.ge [sflag:s13], $0x8000  }
0x1cd: {  	[sflag:s13] =	ssyncset.done $0x0  }
0x1ce: {  	s21 =	rddreg [dreg:$0xc];
	[sflag:s13] =	ssyncadd.s32 $0xFFFF8000  }
0x1cf: {  	[hbm4b:s21+s3] =	stream.linear.scatter [tilespmem:s14], [sflag:$0x2], $0x8000, $0x38;
	[tilespmem:$0x18100] =	vst v63  }
0x1d0: {  	_ =	swait.ge [sflag:s4], $0x8000  }
0x1d1: {  	[sflag:s4] =	ssyncset.done $0x0  }
0x1d2: {  	[sflag:s4] =	ssyncadd.s32 $0xFFFF8000  }
0x1d3: {  	v3 =	vld [tilespmem:$0xA0];
	_ =	sdelay $0x4  }
0x1d4: {  	v58 =	vshll.u32 v3, $0x4  }
0x1d5: {  	v3 =	vand.u32 $0x7, v3;
	v4 =	vand.u32 $0xFFFFFF80, v58  }
0x1d6: {  	v3 =	vor.u32 v3, v4  }
0x1d7: {  	v4 =	vperm.xlane v3, v0;
	_ =	sdelay $0x1  }
0x1d8: {  	v4 =	vadd.s32 v1, v4;
	_ =	sdelay $0x4  }
0x1d9: {  	[tilespmem:s0], [sflag:$0x1] =	stream.indirect_vreg.gather [hbm4b:s2+s3], $0x80, v4, vm0, $0xb8;
	[tilespmem:$0x18100] =	vst v63  }
0x1da: {  	s22 =	simm.s32 $0x8900  }
0x1db: {  	[tilespmem:s22], [sflag:$0x1] =	stream.indirect_vreg.gather [hbm4b:s5+s3], $0x80, v4, vm0, $0xb8;
	[tilespmem:$0x18100] =	vst v63  }
0x1dc: {  	s23 =	simm.s32 $0x9100  }
0x1dd: {  	[tilespmem:s23], [sflag:$0x1] =	stream.indirect_vreg.gather [hbm4b:s6+s3], $0x80, v4, vm0, $0xb8;
	[tilespmem:$0x18100] =	vst v63  }
0x1de: {  	s24 =	simm.s32 $0x9900  }
0x1df: {  	[tilespmem:s24], [sflag:$0x1] =	stream.indirect_vreg.gather [hbm4b:s7+s3], $0x80, v4, vm0, $0xb8;
	[tilespmem:$0x18100] =	vst v63  }
0x1e0: {  	s25 =	simm.s32 $0xA100  }
0x1e1: {  	[tilespmem:s25], [sflag:$0x1] =	stream.indirect_vreg.gather [hbm4b:s8+s3], $0x80, v4, vm0, $0xb8;
	[tilespmem:$0x18100] =	vst v63  }
0x1e2: {  	s26 =	simm.s32 $0xA900;
	v3 =	vperm.xlane v3, v2  }
0x1e3: {  	[tilespmem:s26], [sflag:$0x1] =	stream.indirect_vreg.gather [hbm4b:s9+s3], $0x80, v4, vm0, $0xb8;
	[tilespmem:$0x18100] =	vst v63  }
0x1e4: {  	s28 =	simm.s32 $0xB100;
	v3 =	vadd.s32 v1, v3  }
0x1e5: {  	[tilespmem:s28], [sflag:$0x1] =	stream.indirect_vreg.gather [hbm4b:s10+s3], $0x80, v4, vm0, $0xb8;
	[tilespmem:$0x18100] =	vst v63  }
0x1e6: {  	s29 =	simm.s32 $0xB900  }
0x1e7: {  	[tilespmem:s29], [sflag:$0x1] =	stream.indirect_vreg.gather [hbm4b:s11+s3], $0x80, v4, vm0, $0xb8;
	[tilespmem:$0x18100] =	vst v63  }
0x1e8: {  	s30 =	simm.s32 $0xC100  }
0x1e9: {  	[tilespmem:s30], [sflag:$0x1] =	stream.indirect_vreg.gather [hbm4b:s2+s3], $0x80, v3, vm0, $0xb8;
	[tilespmem:$0x18100] =	vst v63  }
0x1ea: {  	s15 =	simm.s32 $0xC900  }
0x1eb: {  	[tilespmem:s15], [sflag:$0x1] =	stream.indirect_vreg.gather [hbm4b:s5+s3], $0x80, v3, vm0, $0xb8;
	[tilespmem:$0x18100] =	vst v63  }
0x1ec: {  	s16 =	simm.s32 $0xD100  }
0x1ed: {  	[tilespmem:s16], [sflag:$0x1] =	stream.indirect_vreg.gather [hbm4b:s6+s3], $0x80, v3, vm0, $0xb8;
	[tilespmem:$0x18100] =	vst v63  }
0x1ee: {  	s18 =	simm.s32 $0xD900  }
0x1ef: {  	[tilespmem:s18], [sflag:$0x1] =	stream.indirect_vreg.gather [hbm4b:s7+s3], $0x80, v3, vm0, $0xb8;
	[tilespmem:$0x18100] =	vst v63  }
0x1f0: {  	s19 =	simm.s32 $0xE100  }
0x1f1: {  	[tilespmem:s19], [sflag:$0x1] =	stream.indirect_vreg.gather [hbm4b:s8+s3], $0x80, v3, vm0, $0xb8;
	[tilespmem:$0x18100] =	vst v63  }
0x1f2: {  	s20 =	simm.s32 $0xE900  }
0x1f3: {  	[tilespmem:s20], [sflag:$0x1] =	stream.indirect_vreg.gather [hbm4b:s9+s3], $0x80, v3, vm0, $0xb8;
	[tilespmem:$0x18100] =	vst v63  }
0x1f4: {  	s21 =	simm.s32 $0xF100  }
0x1f5: {  	[tilespmem:s21], [sflag:$0x1] =	stream.indirect_vreg.gather [hbm4b:s10+s3], $0x80, v3, vm0, $0xb8;
	[tilespmem:$0x18100] =	vst v63  }
0x1f6: {  	s22 =	simm.s32 $0xF900  }
0x1f7: {  	[tilespmem:s22], [sflag:$0x1] =	stream.indirect_vreg.gather [hbm4b:s11+s3], $0x80, v3, vm0, $0xb8;
	[tilespmem:$0x18100] =	vst v63  }
0x1f8: {  	_ =	swait.ge [sflag:s13], $0x8000  }
0x1f9: {  	[sflag:s13] =	ssyncset.done $0x0  }
0x1fa: {  	s23 =	rddreg [dreg:$0xd];
	[sflag:s13] =	ssyncadd.s32 $0xFFFF8000  }
0x1fb: {  	[hbm4b:s23+s3] =	stream.linear.scatter [tilespmem:s17], [sflag:$0x2], $0x8000, $0x38;
	[tilespmem:$0x18100] =	vst v63  }
0x1fc: {  	_ =	swait.ge [sflag:s4], $0x8000  }
0x1fd: {  	[sflag:s4] =	ssyncset.done $0x0  }
0x1fe: {  	[sflag:s4] =	ssyncadd.s32 $0xFFFF8000  }
0x1ff: {  	v3 =	vld [tilespmem:$0xB0];
	_ =	sdelay $0x4  }
0x200: {  	v59 =	vshll.u32 v3, $0x4  }
0x201: {  	v3 =	vand.u32 $0x7, v3;
	v4 =	vand.u32 $0xFFFFFF80, v59  }
0x202: {  	v3 =	vor.u32 v3, v4  }
0x203: {  	v4 =	vperm.xlane v3, v0;
	_ =	sdelay $0x1  }
0x204: {  	v4 =	vadd.s32 v1, v4;
	_ =	sdelay $0x4  }
0x205: {  	[tilespmem:s14], [sflag:$0x1] =	stream.indirect_vreg.gather [hbm4b:s2+s3], $0x80, v4, vm0, $0xb8;
	[tilespmem:$0x18100] =	vst v63  }
0x206: {  	s24 =	simm.s32 $0x10900  }
0x207: {  	[tilespmem:s24], [sflag:$0x1] =	stream.indirect_vreg.gather [hbm4b:s5+s3], $0x80, v4, vm0, $0xb8;
	[tilespmem:$0x18100] =	vst v63  }
0x208: {  	s25 =	simm.s32 $0x11100  }
0x209: {  	[tilespmem:s25], [sflag:$0x1] =	stream.indirect_vreg.gather [hbm4b:s6+s3], $0x80, v4, vm0, $0xb8;
	[tilespmem:$0x18100] =	vst v63  }
0x20a: {  	s26 =	simm.s32 $0x11900  }
0x20b: {  	[tilespmem:s26], [sflag:$0x1] =	stream.indirect_vreg.gather [hbm4b:s7+s3], $0x80, v4, vm0, $0xb8;
	[tilespmem:$0x18100] =	vst v63  }
0x20c: {  	s28 =	simm.s32 $0x12100  }
0x20d: {  	[tilespmem:s28], [sflag:$0x1] =	stream.indirect_vreg.gather [hbm4b:s8+s3], $0x80, v4, vm0, $0xb8;
	[tilespmem:$0x18100] =	vst v63  }
0x20e: {  	s29 =	simm.s32 $0x12900;
	v3 =	vperm.xlane v3, v2  }
0x20f: {  	[tilespmem:s29], [sflag:$0x1] =	stream.indirect_vreg.gather [hbm4b:s9+s3], $0x80, v4, vm0, $0xb8;
	[tilespmem:$0x18100] =	vst v63  }
0x210: {  	s18 =	simm.s32 $0x13100;
	v3 =	vadd.s32 v1, v3  }
0x211: {  	[tilespmem:s18], [sflag:$0x1] =	stream.indirect_vreg.gather [hbm4b:s10+s3], $0x80, v4, vm0, $0xb8;
	[tilespmem:$0x18100] =	vst v63  }
0x212: {  	s19 =	simm.s32 $0x13900  }
0x213: {  	[tilespmem:s19], [sflag:$0x1] =	stream.indirect_vreg.gather [hbm4b:s11+s3], $0x80, v4, vm0, $0xb8;
	[tilespmem:$0x18100] =	vst v63  }
0x214: {  	s20 =	simm.s32 $0x14100  }
0x215: {  	[tilespmem:s20], [sflag:$0x1] =	stream.indirect_vreg.gather [hbm4b:s2+s3], $0x80, v3, vm0, $0xb8;
	[tilespmem:$0x18100] =	vst v63  }
0x216: {  	s21 =	simm.s32 $0x14900  }
0x217: {  	[tilespmem:s21], [sflag:$0x1] =	stream.indirect_vreg.gather [hbm4b:s5+s3], $0x80, v3, vm0, $0xb8;
	[tilespmem:$0x18100] =	vst v63  }
0x218: {  	s22 =	simm.s32 $0x15100  }
0x219: {  	[tilespmem:s22], [sflag:$0x1] =	stream.indirect_vreg.gather [hbm4b:s6+s3], $0x80, v3, vm0, $0xb8;
	[tilespmem:$0x18100] =	vst v63  }
0x21a: {  	s23 =	simm.s32 $0x15900  }
0x21b: {  	[tilespmem:s23], [sflag:$0x1] =	stream.indirect_vreg.gather [hbm4b:s7+s3], $0x80, v3, vm0, $0xb8;
	[tilespmem:$0x18100] =	vst v63  }
0x21c: {  	s24 =	simm.s32 $0x16100  }
0x21d: {  	[tilespmem:s24], [sflag:$0x1] =	stream.indirect_vreg.gather [hbm4b:s8+s3], $0x80, v3, vm0, $0xb8;
	[tilespmem:$0x18100] =	vst v63  }
0x21e: {  	s25 =	simm.s32 $0x16900  }
0x21f: {  	[tilespmem:s25], [sflag:$0x1] =	stream.indirect_vreg.gather [hbm4b:s9+s3], $0x80, v3, vm0, $0xb8;
	[tilespmem:$0x18100] =	vst v63  }
0x220: {  	s26 =	simm.s32 $0x17100  }
0x221: {  	[tilespmem:s26], [sflag:$0x1] =	stream.indirect_vreg.gather [hbm4b:s10+s3], $0x80, v3, vm0, $0xb8;
	[tilespmem:$0x18100] =	vst v63  }
0x222: {  	s28 =	simm.s32 $0x17900  }
0x223: {  	[tilespmem:s28], [sflag:$0x1] =	stream.indirect_vreg.gather [hbm4b:s11+s3], $0x80, v3, vm0, $0xb8;
	[tilespmem:$0x18100] =	vst v63  }
0x224: {  	_ =	swait.ge [sflag:s13], $0x8000  }
0x225: {  	[sflag:s13] =	ssyncset.done $0x0  }
0x226: {  	s29 =	rddreg [dreg:$0xe];
	[sflag:s13] =	ssyncadd.s32 $0xFFFF8000  }
0x227: {  	[hbm4b:s29+s3] =	stream.linear.scatter [tilespmem:s0], [sflag:$0x2], $0x8000, $0x38;
	[tilespmem:$0x18100] =	vst v63  }
0x228: {  	_ =	swait.ge [sflag:s4], $0x8000  }
0x229: {  	[sflag:s4] =	ssyncset.done $0x0  }
0x22a: {  	[sflag:s4] =	ssyncadd.s32 $0xFFFF8000  }
0x22b: {  	v3 =	vld [tilespmem:$0xC0];
	_ =	sdelay $0x4  }
0x22c: {  	v60 =	vshll.u32 v3, $0x4  }
0x22d: {  	v3 =	vand.u32 $0x7, v3;
	v4 =	vand.u32 $0xFFFFFF80, v60  }
0x22e: {  	v3 =	vor.u32 v3, v4  }
0x22f: {  	v4 =	vperm.xlane v3, v0;
	_ =	sdelay $0x1  }
0x230: {  	v4 =	vadd.s32 v1, v4;
	_ =	sdelay $0x4  }
0x231: {  	[tilespmem:s17], [sflag:$0x1] =	stream.indirect_vreg.gather [hbm4b:s2+s3], $0x80, v4, vm0, $0xb8;
	[tilespmem:$0x18100] =	vst v63  }
0x232: {  	s31 =	simm.s32 $0x900  }
0x233: {  	[tilespmem:s31], [sflag:$0x1] =	stream.indirect_vreg.gather [hbm4b:s5+s3], $0x80, v4, vm0, $0xb8;
	[tilespmem:$0x18100] =	vst v63  }
0x234: {  	s31 =	simm.s32 $0x1100  }
0x235: {  	[tilespmem:s31], [sflag:$0x1] =	stream.indirect_vreg.gather [hbm4b:s6+s3], $0x80, v4, vm0, $0xb8;
	[tilespmem:$0x18100] =	vst v63  }
0x236: {  	s29 =	simm.s32 $0x1900  }
0x237: {  	[tilespmem:s29], [sflag:$0x1] =	stream.indirect_vreg.gather [hbm4b:s7+s3], $0x80, v4, vm0, $0xb8;
	[tilespmem:$0x18100] =	vst v63  }
0x238: {  	s1 =	simm.s32 $0x2100  }
0x239: {  	[tilespmem:s1], [sflag:$0x1] =	stream.indirect_vreg.gather [hbm4b:s8+s3], $0x80, v4, vm0, $0xb8;
	[tilespmem:$0x18100] =	vst v63  }
0x23a: {  	v3 =	vperm.xlane v3, v2;
	s1 =	simm.s32 $0x2900  }
0x23b: {  	[tilespmem:s1], [sflag:$0x1] =	stream.indirect_vreg.gather [hbm4b:s9+s3], $0x80, v4, vm0, $0xb8;
	[tilespmem:$0x18100] =	vst v63  }
0x23c: {  	v3 =	vadd.s32 v1, v3;
	s1 =	simm.s32 $0x3100  }
0x23d: {  	[tilespmem:s1], [sflag:$0x1] =	stream.indirect_vreg.gather [hbm4b:s10+s3], $0x80, v4, vm0, $0xb8;
	[tilespmem:$0x18100] =	vst v63  }
0x23e: {  	s1 =	simm.s32 $0x3900  }
0x23f: {  	[tilespmem:s1], [sflag:$0x1] =	stream.indirect_vreg.gather [hbm4b:s11+s3], $0x80, v4, vm0, $0xb8;
	[tilespmem:$0x18100] =	vst v63  }
0x240: {  	s1 =	simm.s32 $0x4100  }
0x241: {  	[tilespmem:s1], [sflag:$0x1] =	stream.indirect_vreg.gather [hbm4b:s2+s3], $0x80, v3, vm0, $0xb8;
	[tilespmem:$0x18100] =	vst v63  }
0x242: {  	s1 =	simm.s32 $0x4900  }
0x243: {  	[tilespmem:s1], [sflag:$0x1] =	stream.indirect_vreg.gather [hbm4b:s5+s3], $0x80, v3, vm0, $0xb8;
	[tilespmem:$0x18100] =	vst v63  }
0x244: {  	s1 =	simm.s32 $0x5100  }
0x245: {  	[tilespmem:s1], [sflag:$0x1] =	stream.indirect_vreg.gather [hbm4b:s6+s3], $0x80, v3, vm0, $0xb8;
	[tilespmem:$0x18100] =	vst v63  }
0x246: {  	s1 =	simm.s32 $0x5900  }
0x247: {  	[tilespmem:s1], [sflag:$0x1] =	stream.indirect_vreg.gather [hbm4b:s7+s3], $0x80, v3, vm0, $0xb8;
	[tilespmem:$0x18100] =	vst v63  }
0x248: {  	s1 =	simm.s32 $0x6100  }
0x249: {  	[tilespmem:s1], [sflag:$0x1] =	stream.indirect_vreg.gather [hbm4b:s8+s3], $0x80, v3, vm0, $0xb8;
	[tilespmem:$0x18100] =	vst v63  }
0x24a: {  	s1 =	simm.s32 $0x6900  }
0x24b: {  	[tilespmem:s1], [sflag:$0x1] =	stream.indirect_vreg.gather [hbm4b:s9+s3], $0x80, v3, vm0, $0xb8;
	[tilespmem:$0x18100] =	vst v63  }
0x24c: {  	s1 =	simm.s32 $0x7100  }
0x24d: {  	[tilespmem:s1], [sflag:$0x1] =	stream.indirect_vreg.gather [hbm4b:s10+s3], $0x80, v3, vm0, $0xb8;
	[tilespmem:$0x18100] =	vst v63  }
0x24e: {  	s1 =	simm.s32 $0x7900  }
0x24f: {  	[tilespmem:s1], [sflag:$0x1] =	stream.indirect_vreg.gather [hbm4b:s11+s3], $0x80, v3, vm0, $0xb8;
	[tilespmem:$0x18100] =	vst v63  }
0x250: {  	_ =	swait.ge [sflag:s13], $0x8000  }
0x251: {  	[sflag:s13] =	ssyncset.done $0x0  }
0x252: {  	s1 =	rddreg [dreg:$0xf];
	[sflag:s13] =	ssyncadd.s32 $0xFFFF8000  }
0x253: {  	[hbm4b:s1+s3] =	stream.linear.scatter [tilespmem:s14], [sflag:$0x2], $0x8000, $0x38;
	[tilespmem:$0x18100] =	vst v63  }
0x254: {  	_ =	swait.ge [sflag:s4], $0x8000  }
0x255: {  	[sflag:s4] =	ssyncset.done $0x0  }
0x256: {  	[sflag:s4] =	ssyncadd.s32 $0xFFFF8000  }
0x257: {  	v3 =	vld [tilespmem:$0xD0];
	_ =	sdelay $0x4  }
0x258: {  	v61 =	vshll.u32 v3, $0x4  }
0x259: {  	v3 =	vand.u32 $0x7, v3;
	v4 =	vand.u32 $0xFFFFFF80, v61  }
0x25a: {  	v3 =	vor.u32 v3, v4  }
0x25b: {  	v4 =	vperm.xlane v3, v0;
	_ =	sdelay $0x1  }
0x25c: {  	v4 =	vadd.s32 v1, v4;
	_ =	sdelay $0x4  }
0x25d: {  	[tilespmem:s0], [sflag:$0x1] =	stream.indirect_vreg.gather [hbm4b:s2+s3], $0x80, v4, vm0, $0xb8;
	[tilespmem:$0x18100] =	vst v63  }
0x25e: {  	s1 =	simm.s32 $0x8900  }
0x25f: {  	[tilespmem:s1], [sflag:$0x1] =	stream.indirect_vreg.gather [hbm4b:s5+s3], $0x80, v4, vm0, $0xb8;
	[tilespmem:$0x18100] =	vst v63  }
0x260: {  	s1 =	simm.s32 $0x9100  }
0x261: {  	[tilespmem:s1], [sflag:$0x1] =	stream.indirect_vreg.gather [hbm4b:s6+s3], $0x80, v4, vm0, $0xb8;
	[tilespmem:$0x18100] =	vst v63  }
0x262: {  	s1 =	simm.s32 $0x9900  }
0x263: {  	[tilespmem:s1], [sflag:$0x1] =	stream.indirect_vreg.gather [hbm4b:s7+s3], $0x80, v4, vm0, $0xb8;
	[tilespmem:$0x18100] =	vst v63  }
0x264: {  	s1 =	simm.s32 $0xA100  }
0x265: {  	[tilespmem:s1], [sflag:$0x1] =	stream.indirect_vreg.gather [hbm4b:s8+s3], $0x80, v4, vm0, $0xb8;
	[tilespmem:$0x18100] =	vst v63  }
0x266: {  	v3 =	vperm.xlane v3, v2;
	s1 =	simm.s32 $0xA900  }
0x267: {  	[tilespmem:s1], [sflag:$0x1] =	stream.indirect_vreg.gather [hbm4b:s9+s3], $0x80, v4, vm0, $0xb8;
	[tilespmem:$0x18100] =	vst v63  }
0x268: {  	v3 =	vadd.s32 v1, v3;
	s1 =	simm.s32 $0xB100  }
0x269: {  	[tilespmem:s1], [sflag:$0x1] =	stream.indirect_vreg.gather [hbm4b:s10+s3], $0x80, v4, vm0, $0xb8;
	[tilespmem:$0x18100] =	vst v63  }
0x26a: {  	s1 =	simm.s32 $0xB900  }
0x26b: {  	[tilespmem:s1], [sflag:$0x1] =	stream.indirect_vreg.gather [hbm4b:s11+s3], $0x80, v4, vm0, $0xb8;
	[tilespmem:$0x18100] =	vst v63  }
0x26c: {  	s1 =	simm.s32 $0xC100  }
0x26d: {  	[tilespmem:s1], [sflag:$0x1] =	stream.indirect_vreg.gather [hbm4b:s2+s3], $0x80, v3, vm0, $0xb8;
	[tilespmem:$0x18100] =	vst v63  }
0x26e: {  	s1 =	simm.s32 $0xC900  }
0x26f: {  	[tilespmem:s1], [sflag:$0x1] =	stream.indirect_vreg.gather [hbm4b:s5+s3], $0x80, v3, vm0, $0xb8;
	[tilespmem:$0x18100] =	vst v63  }
0x270: {  	s1 =	simm.s32 $0xD100  }
0x271: {  	[tilespmem:s1], [sflag:$0x1] =	stream.indirect_vreg.gather [hbm4b:s6+s3], $0x80, v3, vm0, $0xb8;
	[tilespmem:$0x18100] =	vst v63  }
0x272: {  	s1 =	simm.s32 $0xD900  }
0x273: {  	[tilespmem:s1], [sflag:$0x1] =	stream.indirect_vreg.gather [hbm4b:s7+s3], $0x80, v3, vm0, $0xb8;
	[tilespmem:$0x18100] =	vst v63  }
0x274: {  	s1 =	simm.s32 $0xE100  }
0x275: {  	[tilespmem:s1], [sflag:$0x1] =	stream.indirect_vreg.gather [hbm4b:s8+s3], $0x80, v3, vm0, $0xb8;
	[tilespmem:$0x18100] =	vst v63  }
0x276: {  	s1 =	simm.s32 $0xE900  }
0x277: {  	[tilespmem:s1], [sflag:$0x1] =	stream.indirect_vreg.gather [hbm4b:s9+s3], $0x80, v3, vm0, $0xb8;
	[tilespmem:$0x18100] =	vst v63  }
0x278: {  	s1 =	simm.s32 $0xF100  }
0x279: {  	[tilespmem:s1], [sflag:$0x1] =	stream.indirect_vreg.gather [hbm4b:s10+s3], $0x80, v3, vm0, $0xb8;
	[tilespmem:$0x18100] =	vst v63  }
0x27a: {  	s1 =	simm.s32 $0xF900  }
0x27b: {  	[tilespmem:s1], [sflag:$0x1] =	stream.indirect_vreg.gather [hbm4b:s11+s3], $0x80, v3, vm0, $0xb8;
	[tilespmem:$0x18100] =	vst v63  }
0x27c: {  	_ =	swait.ge [sflag:s13], $0x8000  }
0x27d: {  	[sflag:s13] =	ssyncset.done $0x0  }
0x27e: {  	s1 =	rddreg [dreg:$0x10];
	[sflag:s13] =	ssyncadd.s32 $0xFFFF8000  }
0x27f: {  	[hbm4b:s1+s3] =	stream.linear.scatter [tilespmem:s17], [sflag:$0x2], $0x8000, $0x38;
	[tilespmem:$0x18100] =	vst v63  }
0x280: {  	_ =	swait.ge [sflag:s4], $0x8000  }
0x281: {  	[sflag:s4] =	ssyncset.done $0x0  }
0x282: {  	[sflag:s4] =	ssyncadd.s32 $0xFFFF8000  }
0x283: {  	v3 =	vld [tilespmem:$0xE0];
	_ =	sdelay $0x4  }
0x284: {  	v62 =	vshll.u32 v3, $0x4  }
0x285: {  	v3 =	vand.u32 $0x7, v3;
	v4 =	vand.u32 $0xFFFFFF80, v62  }
0x286: {  	v3 =	vor.u32 v3, v4  }
0x287: {  	v4 =	vperm.xlane v3, v0;
	_ =	sdelay $0x1  }
0x288: {  	v4 =	vadd.s32 v1, v4;
	_ =	sdelay $0x4  }
0x289: {  	[tilespmem:s14], [sflag:$0x1] =	stream.indirect_vreg.gather [hbm4b:s2+s3], $0x80, v4, vm0, $0xb8;
	[tilespmem:$0x18100] =	vst v63  }
0x28a: {  	s15 =	simm.s32 $0x10900  }
0x28b: {  	[tilespmem:s15], [sflag:$0x1] =	stream.indirect_vreg.gather [hbm4b:s5+s3], $0x80, v4, vm0, $0xb8;
	[tilespmem:$0x18100] =	vst v63  }
0x28c: {  	s30 =	simm.s32 $0x11100  }
0x28d: {  	[tilespmem:s30], [sflag:$0x1] =	stream.indirect_vreg.gather [hbm4b:s6+s3], $0x80, v4, vm0, $0xb8;
	[tilespmem:$0x18100] =	vst v63  }
0x28e: {  	s16 =	simm.s32 $0x11900  }
0x28f: {  	[tilespmem:s16], [sflag:$0x1] =	stream.indirect_vreg.gather [hbm4b:s7+s3], $0x80, v4, vm0, $0xb8;
	[tilespmem:$0x18100] =	vst v63  }
0x290: {  	s15 =	simm.s32 $0x12100  }
0x291: {  	[tilespmem:s15], [sflag:$0x1] =	stream.indirect_vreg.gather [hbm4b:s8+s3], $0x80, v4, vm0, $0xb8;
	[tilespmem:$0x18100] =	vst v63  }
0x292: {  	v3 =	vperm.xlane v3, v2;
	s16 =	simm.s32 $0x12900  }
0x293: {  	[tilespmem:s16], [sflag:$0x1] =	stream.indirect_vreg.gather [hbm4b:s9+s3], $0x80, v4, vm0, $0xb8;
	[tilespmem:$0x18100] =	vst v63  }
0x294: {  	s18 =	simm.s32 $0x13100;
	v3 =	vadd.s32 v1, v3  }
0x295: {  	[tilespmem:s18], [sflag:$0x1] =	stream.indirect_vreg.gather [hbm4b:s10+s3], $0x80, v4, vm0, $0xb8;
	[tilespmem:$0x18100] =	vst v63  }
0x296: {  	s19 =	simm.s32 $0x13900  }
0x297: {  	[tilespmem:s19], [sflag:$0x1] =	stream.indirect_vreg.gather [hbm4b:s11+s3], $0x80, v4, vm0, $0xb8;
	[tilespmem:$0x18100] =	vst v63  }
0x298: {  	s20 =	simm.s32 $0x14100  }
0x299: {  	[tilespmem:s20], [sflag:$0x1] =	stream.indirect_vreg.gather [hbm4b:s2+s3], $0x80, v3, vm0, $0xb8;
	[tilespmem:$0x18100] =	vst v63  }
0x29a: {  	s21 =	simm.s32 $0x14900  }
0x29b: {  	[tilespmem:s21], [sflag:$0x1] =	stream.indirect_vreg.gather [hbm4b:s5+s3], $0x80, v3, vm0, $0xb8;
	[tilespmem:$0x18100] =	vst v63  }
0x29c: {  	s22 =	simm.s32 $0x15100  }
0x29d: {  	[tilespmem:s22], [sflag:$0x1] =	stream.indirect_vreg.gather [hbm4b:s6+s3], $0x80, v3, vm0, $0xb8;
	[tilespmem:$0x18100] =	vst v63  }
0x29e: {  	s23 =	simm.s32 $0x15900  }
0x29f: {  	[tilespmem:s23], [sflag:$0x1] =	stream.indirect_vreg.gather [hbm4b:s7+s3], $0x80, v3, vm0, $0xb8;
	[tilespmem:$0x18100] =	vst v63  }
0x2a0: {  	s24 =	simm.s32 $0x16100  }
0x2a1: {  	[tilespmem:s24], [sflag:$0x1] =	stream.indirect_vreg.gather [hbm4b:s8+s3], $0x80, v3, vm0, $0xb8;
	[tilespmem:$0x18100] =	vst v63  }
0x2a2: {  	s25 =	simm.s32 $0x16900  }
0x2a3: {  	[tilespmem:s25], [sflag:$0x1] =	stream.indirect_vreg.gather [hbm4b:s9+s3], $0x80, v3, vm0, $0xb8;
	[tilespmem:$0x18100] =	vst v63  }
0x2a4: {  	s26 =	simm.s32 $0x17100  }
0x2a5: {  	[tilespmem:s26], [sflag:$0x1] =	stream.indirect_vreg.gather [hbm4b:s10+s3], $0x80, v3, vm0, $0xb8;
	[tilespmem:$0x18100] =	vst v63  }
0x2a6: {  	s30 =	simm.s32 $0x17900  }
0x2a7: {  	[tilespmem:s30], [sflag:$0x1] =	stream.indirect_vreg.gather [hbm4b:s11+s3], $0x80, v3, vm0, $0xb8;
	[tilespmem:$0x18100] =	vst v63  }
0x2a8: {  	_ =	swait.ge [sflag:s13], $0x8000  }
0x2a9: {  	[sflag:s13] =	ssyncset.done $0x0  }
0x2aa: {  	s15 =	rddreg [dreg:$0x11];
	[sflag:s13] =	ssyncadd.s32 $0xFFFF8000  }
0x2ab: {  	[hbm4b:s15+s3] =	stream.linear.scatter [tilespmem:s0], [sflag:$0x2], $0x8000, $0x38;
	[tilespmem:$0x18100] =	vst v63  }
0x2ac: {  	_ =	swait.ge [sflag:s4], $0x8000  }
0x2ad: {  	[sflag:s4] =	ssyncset.done $0x0  }
0x2ae: {  	[sflag:s4] =	ssyncadd.s32 $0xFFFF8000  }
0x2af: {  	v3 =	vld [tilespmem:$0xF0];
	_ =	sdelay $0x4  }
0x2b0: {  	v63 =	vshll.u32 v3, $0x4  }
0x2b1: {  	v3 =	vand.u32 $0x7, v3;
	v4 =	vand.u32 $0xFFFFFF80, v63  }
0x2b2: {  	v3 =	vor.u32 v3, v4  }
0x2b3: {  	v4 =	vperm.xlane v3, v0;
	_ =	sdelay $0x1  }
0x2b4: {  	v4 =	vadd.s32 v1, v4;
	_ =	sdelay $0x4  }
0x2b5: {  	[tilespmem:s17], [sflag:$0x1] =	stream.indirect_vreg.gather [hbm4b:s2+s3], $0x80, v4, vm0, $0xb8;
	[tilespmem:$0x18100] =	vst v63  }
0x2b6: {  	s28 =	simm.s32 $0x900  }
0x2b7: {  	[tilespmem:s28], [sflag:$0x1] =	stream.indirect_vreg.gather [hbm4b:s5+s3], $0x80, v4, vm0, $0xb8;
	[tilespmem:$0x18100] =	vst v63  }
0x2b8: {  	s31 =	simm.s32 $0x1100  }
0x2b9: {  	[tilespmem:s31], [sflag:$0x1] =	stream.indirect_vreg.gather [hbm4b:s6+s3], $0x80, v4, vm0, $0xb8;
	[tilespmem:$0x18100] =	vst v63  }
0x2ba: {  	s29 =	simm.s32 $0x1900  }
0x2bb: {  	[tilespmem:s29], [sflag:$0x1] =	stream.indirect_vreg.gather [hbm4b:s7+s3], $0x80, v4, vm0, $0xb8;
	[tilespmem:$0x18100] =	vst v63  }
0x2bc: {  	s16 =	simm.s32 $0x2100  }
0x2bd: {  	[tilespmem:s16], [sflag:$0x1] =	stream.indirect_vreg.gather [hbm4b:s8+s3], $0x80, v4, vm0, $0xb8;
	[tilespmem:$0x18100] =	vst v63  }
0x2be: {  	s18 =	simm.s32 $0x2900;
	v3 =	vperm.xlane v3, v2  }
0x2bf: {  	[tilespmem:s18], [sflag:$0x1] =	stream.indirect_vreg.gather [hbm4b:s9+s3], $0x80, v4, vm0, $0xb8;
	[tilespmem:$0x18100] =	vst v63  }
0x2c0: {  	s19 =	simm.s32 $0x3100;
	v3 =	vadd.s32 v1, v3  }
0x2c1: {  	[tilespmem:s19], [sflag:$0x1] =	stream.indirect_vreg.gather [hbm4b:s10+s3], $0x80, v4, vm0, $0xb8;
	[tilespmem:$0x18100] =	vst v63  }
0x2c2: {  	s20 =	simm.s32 $0x3900  }
0x2c3: {  	[tilespmem:s20], [sflag:$0x1] =	stream.indirect_vreg.gather [hbm4b:s11+s3], $0x80, v4, vm0, $0xb8;
	[tilespmem:$0x18100] =	vst v63  }
0x2c4: {  	s21 =	simm.s32 $0x4100  }
0x2c5: {  	[tilespmem:s21], [sflag:$0x1] =	stream.indirect_vreg.gather [hbm4b:s2+s3], $0x80, v3, vm0, $0xb8;
	[tilespmem:$0x18100] =	vst v63  }
0x2c6: {  	s22 =	simm.s32 $0x4900  }
0x2c7: {  	[tilespmem:s22], [sflag:$0x1] =	stream.indirect_vreg.gather [hbm4b:s5+s3], $0x80, v3, vm0, $0xb8;
	[tilespmem:$0x18100] =	vst v63  }
0x2c8: {  	s23 =	simm.s32 $0x5100  }
0x2c9: {  	[tilespmem:s23], [sflag:$0x1] =	stream.indirect_vreg.gather [hbm4b:s6+s3], $0x80, v3, vm0, $0xb8;
	[tilespmem:$0x18100] =	vst v63  }
0x2ca: {  	s24 =	simm.s32 $0x5900  }
0x2cb: {  	[tilespmem:s24], [sflag:$0x1] =	stream.indirect_vreg.gather [hbm4b:s7+s3], $0x80, v3, vm0, $0xb8;
	[tilespmem:$0x18100] =	vst v63  }
0x2cc: {  	s25 =	simm.s32 $0x6100  }
0x2cd: {  	[tilespmem:s25], [sflag:$0x1] =	stream.indirect_vreg.gather [hbm4b:s8+s3], $0x80, v3, vm0, $0xb8;
	[tilespmem:$0x18100] =	vst v63  }
0x2ce: {  	s26 =	simm.s32 $0x6900  }
0x2cf: {  	[tilespmem:s26], [sflag:$0x1] =	stream.indirect_vreg.gather [hbm4b:s9+s3], $0x80, v3, vm0, $0xb8;
	[tilespmem:$0x18100] =	vst v63  }
0x2d0: {  	s28 =	simm.s32 $0x7100  }
0x2d1: {  	[tilespmem:s28], [sflag:$0x1] =	stream.indirect_vreg.gather [hbm4b:s10+s3], $0x80, v3, vm0, $0xb8;
	[tilespmem:$0x18100] =	vst v63  }
0x2d2: {  	s29 =	simm.s32 $0x7900  }
0x2d3: {  	[tilespmem:s29], [sflag:$0x1] =	stream.indirect_vreg.gather [hbm4b:s11+s3], $0x80, v3, vm0, $0xb8;
	[tilespmem:$0x18100] =	vst v63  }
0x2d4: {  	_ =	swait.ge [sflag:s13], $0x8000  }
0x2d5: {  	[sflag:s13] =	ssyncset.done $0x0  }
0x2d6: {  	s30 =	rddreg [dreg:$0x12];
	[sflag:s13] =	ssyncadd.s32 $0xFFFF8000  }
0x2d7: {  	[hbm4b:s30+s3] =	stream.linear.scatter [tilespmem:s14], [sflag:$0x2], $0x8000, $0x38;
	[tilespmem:$0x18100] =	vst v63  }
0x2d8: {  	_ =	swait.ge [sflag:s13], $0x8000  }
0x2d9: {  	[sflag:s13] =	ssyncset.done $0x0  }
0x2da: {  	s31 =	rddreg [dreg:$0x13];
	[sflag:s13] =	ssyncadd.s32 $0xFFFF8000  }
0x2db: {  	[hbm4b:s31+s3] =	stream.linear.scatter [tilespmem:s17], [sflag:$0x2], $0x8000, $0x38;
	[tilespmem:$0x18100] =	vst v63  }
0x2dc: {  	_ =	swait.ge [sflag:s4], $0x8000  }
0x2dd: {  	[sflag:s4] =	ssyncset.done $0x0  }
0x2de: {  	[sflag:s4] =	ssyncadd.s32 $0xFFFF8000  }
0x2df: {  	p0 =	sne.s32 s12, $0x1;
	_ =	swait.ge [sflag:s4], $0x8000  }
.Ltmp0:
0x2e0: {  	[sflag:s4] =	ssyncset.done $0x0;
	(pc) =	sbr.rel @p0 .LBB2_1-.Ltmp0, $4  }
0x2e1: {  	[sflag:s4] =	ssyncadd.s32 $0xFFFF8000  }
0x2e2: {  	_ =	swait.ge [sflag:s4], $0x8000  }
0x2e3: {  	[sflag:s4] =	ssyncset.done $0x0  }
0x2e4: {  	s12 =	sadd.s32 $0xFFFFFFFF, s12;
	[sflag:s4] =	ssyncadd.s32 $0xFFFF8000  }
0x2e5: {  	_ =	sfence.sel $0x180000  }
0x2e6: {  	[bflag:$0x0] =	sbarrier.arrive $0xFFFF  }
0x2e7: {  	_ =	strace $0x90000047  }
0x2e8: {  	s0 =	stileid.u32;
	[bflag:$0x2] =	sbarrier.arrive $0xFFFF  }
0x2e9: {  	p0 =	sne.s32 s0, $0x0;
	s0 =	rddreg [dreg:$0x3]  }
0x2ea: {  	s0 =	sadd.s32 @!p0 $0x100000, s0  }
0x2eb: {  	[sflag:s0] =	ssyncadd.tile.s32 @!p0 $0x1;
	_ =	shalt  }
.Lfunc_end2:
_tile_overlayer_lowered:
.L_overlay_start_2:
0x2ec: {  	(tag) =	ssettag $0x2  }
0x2ed: {  	s0 =	rddreg [dreg:$0x0];
	s2 =	stileid.u32  }
0x2ee: {  	s1 =	rddreg [dreg:$0x1];
	p0 =	sne.s32 s2, $0x0  }
0x2ef: {  	s3 =	rddreg [dreg:$0x2];
	[bflag:$0x3] =	sbarrier.arrive $0xFFFF;
	s2 =	simm.s32 @!p0 $0x1C03  }
0x2f0: {  	[timem:s3], [sflag:s2] =	dma.local @!p0 [hbm:s0], s1  }
0x2f1: {  	s0 =	simm.s32 @!p0 $0x3  }
0x2f2: {  	_ =	swait.ge @!p0 [sflag:s0], s1  }
0x2f3: {  	s1 =	ssub.s32 @!p0 $0x0, s1;
	[sflag:s0] =	ssyncset.done @!p0 $0x0  }
0x2f4: {  	[sflag:s0] =	ssyncadd.s32 @!p0 s1  }
0x2f5: {  	[bflag:$0x3] =	sbarrier.arrive $0xFFFF  }
0x2f6: {  	_ =	shalt  }

</sc_bundles>
